<compile_context>
chip_gen: v7x
topology: tpu7x:2x2x1
jax: 0.10.2.dev20260603
libtpu: 0.0.44.dev20260713+nightly
codegen_flags: <defaults>
</compile_context>

<pallas_src>
import functools

import jax
import jax.numpy as jnp
from jax import lax
from jax.experimental import pallas as pl
from jax.experimental.pallas import tpu as pltpu
from jax.experimental.pallas import tpu_sc as plsc

VOCAB = 100000
D = 64
BATCH = 4096
SEQ = 200

NC = 2
NS = 16
NW = NC * NS

PER_W = BATCH // NW
NBUF = 6
GAHEAD = 3


def _make_sc_gather():
    mesh = plsc.VectorSubcoreMesh(
        core_axis_name="c", subcore_axis_name="s", num_cores=NC, num_subcores=NS
    )

    @functools.partial(
        pl.kernel,
        mesh=mesh,
        out_type=jax.ShapeDtypeStruct((BATCH, SEQ, D), jnp.float32),
        scratch_types=[
            pltpu.VMEM((PER_W, SEQ), jnp.int32),
            pltpu.VMEM((NBUF, SEQ, D), jnp.float32),
        ]
        + [pltpu.SemaphoreType.DMA] * NBUF
        + [pltpu.SemaphoreType.DMA] * NBUF,
        compiler_params=pltpu.CompilerParams(use_tc_tiling_on_sc=False),
    )
    def k(code_hbm, table_hbm, out_hbm, idx_v, rows_v, *sems):
        gsem = sems[:NBUF]
        wsem = sems[NBUF:]
        wid = lax.axis_index("s") * NC + lax.axis_index("c")
        bb = wid * PER_W
        pltpu.sync_copy(code_hbm.at[wid], idx_v)

        def start_gather(j, b):
            pltpu.async_copy(table_hbm.at[idx_v.at[j]], rows_v.at[b], gsem[b])

        def wait_gather(j, b):
            pltpu.make_async_copy(
                table_hbm.at[idx_v.at[j]], rows_v.at[b], gsem[b]
            ).wait()

        def start_write(j, b):
            pltpu.async_copy(rows_v.at[b], out_hbm.at[bb + j], wsem[b])

        def wait_write(j, b):
            pltpu.make_async_copy(
                rows_v.at[b], out_hbm.at[bb + j], wsem[b]
            ).wait()

        for t in range(GAHEAD):
            start_gather(t, t)
        for j in range(NBUF - GAHEAD):
            start_gather(j + GAHEAD, j + GAHEAD)
            wait_gather(j, j)
            start_write(j, j)

        J0 = NBUF - GAHEAD
        M = (PER_W - GAHEAD - J0) // NBUF

        def block(i, carry):
            for t in range(NBUF):
                j = J0 + i * NBUF + t
                b = (J0 + t) % NBUF
                bg = (J0 + t + GAHEAD) % NBUF
                wait_write(j + GAHEAD - NBUF, bg)
                start_gather(j + GAHEAD, bg)
                wait_gather(j, b)
                start_write(j, b)
            return carry

        lax.fori_loop(0, M, block, 0)

        for j in range(J0 + M * NBUF, PER_W):
            b = j % NBUF
            if j + GAHEAD < PER_W:
                bg = (j + GAHEAD) % NBUF
                wait_write(j + GAHEAD - NBUF, bg)
                start_gather(j + GAHEAD, bg)
            wait_gather(j, b)
            start_write(j, b)
        for j in range(PER_W - NBUF, PER_W):
            wait_write(j, j % NBUF)

    return k


_sc_gather = _make_sc_gather()


def kernel(code, embedding):
    code3 = code.reshape(NW, PER_W, SEQ).astype(jnp.int32)
    return _sc_gather(code3, embedding)

# --- scband reference (transcript-rebuilt; emitter-appended) ---
"""Pipeline reference for scband-token-embedding-encoder-74191265071355 (READ-ONLY COPY).

The authoritative reference and input builder live on the scoring server;
editing this copy changes nothing except your own understanding.
"""

import jax, jax.numpy as jnp
import numpy as np

VOCAB_SIZE = 100000
EMBEDDING_DIM = 64
BATCH = 4096
SEQ = 200

def setup_inputs(seed: int = 0) -> dict:
    key = jax.random.key(seed)
    k_code, k_emb = jax.random.split(key)
    code = jax.random.randint(k_code, (BATCH, SEQ), 0, VOCAB_SIZE, dtype=jnp.int64 if jax.config.jax_enable_x64 else jnp.int32)
    embedding = jax.random.normal(k_emb, (VOCAB_SIZE, EMBEDDING_DIM), dtype=jnp.float32)
    return {"code": code, "embedding": embedding}

def reference(code, embedding):
    # TokenEmbeddingEncoder.encode: patient_state = self.embedding(batch.code.long())
    patient_state = jnp.take(embedding, code, axis=0)
    return patient_state

if __name__ == "__main__":
    import jax
    _d = setup_inputs()
    print(jax.jit(kernel)(*tuple(_d.values())))

</pallas_src>

<mosaic_0001>
#map = affine_map<(d0, d1) -> (0, 0, 0)>
#map1 = affine_map<(d0, d1) -> (0, 0)>
module attributes {stable_mosaic.version = 14 : i64} {
  func.func @k(%arg0: i32, %arg1: i32, %arg2: memref<32x128x200xi32, #tpu.memory_space<hbm>>, %arg3: memref<100000x64xf32, #tpu.memory_space<hbm>>, %arg4: memref<4096x200x64xf32, #tpu.memory_space<hbm>>, %arg5: memref<128x200xi32, #tpu.memory_space<vmem>>, %arg6: memref<6x200x64xf32, #tpu.memory_space<vmem>>, %arg7: memref<!tpu.dma_semaphore, #tpu.memory_space<semaphore_mem>>, %arg8: memref<!tpu.dma_semaphore, #tpu.memory_space<semaphore_mem>>, %arg9: memref<!tpu.dma_semaphore, #tpu.memory_space<semaphore_mem>>, %arg10: memref<!tpu.dma_semaphore, #tpu.memory_space<semaphore_mem>>, %arg11: memref<!tpu.dma_semaphore, #tpu.memory_space<semaphore_mem>>, %arg12: memref<!tpu.dma_semaphore, #tpu.memory_space<semaphore_mem>>, %arg13: memref<!tpu.dma_semaphore, #tpu.memory_space<semaphore_mem>>, %arg14: memref<!tpu.dma_semaphore, #tpu.memory_space<semaphore_mem>>, %arg15: memref<!tpu.dma_semaphore, #tpu.memory_space<semaphore_mem>>, %arg16: memref<!tpu.dma_semaphore, #tpu.memory_space<semaphore_mem>>, %arg17: memref<!tpu.dma_semaphore, #tpu.memory_space<semaphore_mem>>, %arg18: memref<!tpu.dma_semaphore, #tpu.memory_space<semaphore_mem>>) attributes {dimension_semantics = [#tpu.dimension_semantics<core_parallel>, #tpu.dimension_semantics<subcore_parallel>], iteration_bounds = array<i64: 2, 16>, scalar_prefetch = 0 : i64, scratch_operands = 14 : i64, tpu.core_type = #tpu.core_type<sc_vector_subcore>, window_params = [{transform_indices = #map}, {transform_indices = #map1}, {transform_indices = #map}]} {
    %mul3A = arith.constant 2 : i32
    %mul3A_0 = arith.muli %arg1, %mul3A : i32
    %add3A = arith.addi %mul3A_0, %arg0 : i32
    %mul3A_1 = arith.constant 128 : i32
    %mul3A_2 = arith.muli %add3A, %mul3A_1 : i32
    "tpu.region"() ({
      %run_scoped3A = tpu.sem_alloc : memref<!tpu.dma_semaphore, #tpu.memory_space<semaphore_mem>>
      %dma_start3A_502 = arith.constant 0 : i32
      %dma_start3A_503 = arith.constant 0 : i32
      %dma_start3A_504 = tpu.memref_slice %arg2[%add3A, %dma_start3A_502, %dma_start3A_503] : memref<32x128x200xi32, #tpu.memory_space<hbm>> -> memref<1x128x200xi32, #tpu.memory_space<hbm>>
      %dma_start3A_505 = tpu.memref_squeeze %dma_start3A_504 : memref<1x128x200xi32, #tpu.memory_space<hbm>> -> memref<128x200xi32, #tpu.memory_space<hbm>>
      %dma_start3A_506 = arith.constant 0 : i32
      %dma_start3A_507 = arith.constant 0 : i32
      %dma_start3A_508 = tpu.memref_slice %arg2[%add3A, %dma_start3A_506, %dma_start3A_507] : memref<32x128x200xi32, #tpu.memory_space<hbm>> -> memref<1x128x200xi32, #tpu.memory_space<hbm>>
      %dma_start3A_509 = tpu.memref_squeeze %dma_start3A_508 : memref<1x128x200xi32, #tpu.memory_space<hbm>> -> memref<128x200xi32, #tpu.memory_space<hbm>>
      tpu.enqueue_dma source(%dma_start3A_509 : memref<128x200xi32, #tpu.memory_space<hbm>>) target(%arg5 : memref<128x200xi32, #tpu.memory_space<vmem>>) target_semaphore(%run_scoped3A : memref<!tpu.dma_semaphore, #tpu.memory_space<semaphore_mem>>)
      %dma_wait3A_510 = arith.constant 0 : i32
      %dma_wait3A_511 = arith.constant 0 : i32
      %dma_wait3A_512 = tpu.memref_slice %arg2[%add3A, %dma_wait3A_510, %dma_wait3A_511] : memref<32x128x200xi32, #tpu.memory_space<hbm>> -> memref<1x128x200xi32, #tpu.memory_space<hbm>>
      %dma_wait3A_513 = tpu.memref_squeeze %dma_wait3A_512 : memref<1x128x200xi32, #tpu.memory_space<hbm>> -> memref<128x200xi32, #tpu.memory_space<hbm>>
      %dma_wait3A_514 = arith.constant 0 : i32
      %dma_wait3A_515 = arith.constant 0 : i32
      %dma_wait3A_516 = tpu.memref_slice %arg2[%add3A, %dma_wait3A_514, %dma_wait3A_515] : memref<32x128x200xi32, #tpu.memory_space<hbm>> -> memref<1x128x200xi32, #tpu.memory_space<hbm>>
      %dma_wait3A_517 = tpu.memref_squeeze %dma_wait3A_516 : memref<1x128x200xi32, #tpu.memory_space<hbm>> -> memref<128x200xi32, #tpu.memory_space<hbm>>
      tpu.wait_dma2 semaphore(%run_scoped3A : memref<!tpu.dma_semaphore, #tpu.memory_space<semaphore_mem>>) src(%dma_wait3A_517 : memref<128x200xi32, #tpu.memory_space<hbm>>) dst(%arg5 : memref<128x200xi32, #tpu.memory_space<vmem>>)
      tpu.yield
    }) : () -> ()
    %dma_start3A = arith.constant 0 : i32
    %dma_start3A_3 = arith.constant 0 : i32
    %dma_start3A_4 = arith.constant 0 : i32
    %dma_start3A_5 = arith.constant 0 : i32
    %dma_start3A_6 = tpu.memref_slice %arg6[%dma_start3A_3, %dma_start3A_4, %dma_start3A_5] : memref<6x200x64xf32, #tpu.memory_space<vmem>> -> memref<1x200x64xf32, #tpu.memory_space<vmem>>
    %dma_start3A_7 = tpu.memref_squeeze %dma_start3A_6 : memref<1x200x64xf32, #tpu.memory_space<vmem>> -> memref<200x64xf32, #tpu.memory_space<vmem>>
    %dma_start3A_8 = arith.constant 0 : i32
    %dma_start3A_9 = tpu.memref_slice %arg5[%dma_start3A, %dma_start3A_8] : memref<128x200xi32, #tpu.memory_space<vmem>> -> memref<1x200xi32, #tpu.memory_space<vmem>>
    %dma_start3A_10 = tpu.memref_squeeze %dma_start3A_9 : memref<1x200xi32, #tpu.memory_space<vmem>> -> memref<200xi32, #tpu.memory_space<vmem>>
    %dma_start3A_11 = arith.constant 0 : i32
    %dma_start3A_12 = arith.constant 0 : i32
    %dma_start3A_13 = tpu.memref_slice %arg3[%dma_start3A_11, %dma_start3A_12] : memref<100000x64xf32, #tpu.memory_space<hbm>> -> memref<100000x64xf32, #tpu.memory_space<hbm>>
    tpu.enqueue_indirect_dma source(%dma_start3A_13 : memref<100000x64xf32, #tpu.memory_space<hbm>>) target(%dma_start3A_7 : memref<200x64xf32, #tpu.memory_space<vmem>>) offsets(%dma_start3A_10 : memref<200xi32, #tpu.memory_space<vmem>>) semaphore(%arg7 : memref<!tpu.dma_semaphore, #tpu.memory_space<semaphore_mem>>)
    %dma_start3A_14 = arith.constant 1 : i32
    %dma_start3A_15 = arith.constant 1 : i32
    %dma_start3A_16 = arith.constant 0 : i32
    %dma_start3A_17 = arith.constant 0 : i32
    %dma_start3A_18 = tpu.memref_slice %arg6[%dma_start3A_15, %dma_start3A_16, %dma_start3A_17] : memref<6x200x64xf32, #tpu.memory_space<vmem>> -> memref<1x200x64xf32, #tpu.memory_space<vmem>>
    %dma_start3A_19 = tpu.memref_squeeze %dma_start3A_18 : memref<1x200x64xf32, #tpu.memory_space<vmem>> -> memref<200x64xf32, #tpu.memory_space<vmem>>
    %dma_start3A_20 = arith.constant 0 : i32
    %dma_start3A_21 = tpu.memref_slice %arg5[%dma_start3A_14, %dma_start3A_20] : memref<128x200xi32, #tpu.memory_space<vmem>> -> memref<1x200xi32, #tpu.memory_space<vmem>>
    %dma_start3A_22 = tpu.memref_squeeze %dma_start3A_21 : memref<1x200xi32, #tpu.memory_space<vmem>> -> memref<200xi32, #tpu.memory_space<vmem>>
    %dma_start3A_23 = arith.constant 0 : i32
    %dma_start3A_24 = arith.constant 0 : i32
    %dma_start3A_25 = tpu.memref_slice %arg3[%dma_start3A_23, %dma_start3A_24] : memref<100000x64xf32, #tpu.memory_space<hbm>> -> memref<100000x64xf32, #tpu.memory_space<hbm>>
    tpu.enqueue_indirect_dma source(%dma_start3A_25 : memref<100000x64xf32, #tpu.memory_space<hbm>>) target(%dma_start3A_19 : memref<200x64xf32, #tpu.memory_space<vmem>>) offsets(%dma_start3A_22 : memref<200xi32, #tpu.memory_space<vmem>>) semaphore(%arg8 : memref<!tpu.dma_semaphore, #tpu.memory_space<semaphore_mem>>)
    %dma_start3A_26 = arith.constant 2 : i32
    %dma_start3A_27 = arith.constant 2 : i32
    %dma_start3A_28 = arith.constant 0 : i32
    %dma_start3A_29 = arith.constant 0 : i32
    %dma_start3A_30 = tpu.memref_slice %arg6[%dma_start3A_27, %dma_start3A_28, %dma_start3A_29] : memref<6x200x64xf32, #tpu.memory_space<vmem>> -> memref<1x200x64xf32, #tpu.memory_space<vmem>>
    %dma_start3A_31 = tpu.memref_squeeze %dma_start3A_30 : memref<1x200x64xf32, #tpu.memory_space<vmem>> -> memref<200x64xf32, #tpu.memory_space<vmem>>
    %dma_start3A_32 = arith.constant 0 : i32
    %dma_start3A_33 = tpu.memref_slice %arg5[%dma_start3A_26, %dma_start3A_32] : memref<128x200xi32, #tpu.memory_space<vmem>> -> memref<1x200xi32, #tpu.memory_space<vmem>>
    %dma_start3A_34 = tpu.memref_squeeze %dma_start3A_33 : memref<1x200xi32, #tpu.memory_space<vmem>> -> memref<200xi32, #tpu.memory_space<vmem>>
    %dma_start3A_35 = arith.constant 0 : i32
    %dma_start3A_36 = arith.constant 0 : i32
    %dma_start3A_37 = tpu.memref_slice %arg3[%dma_start3A_35, %dma_start3A_36] : memref<100000x64xf32, #tpu.memory_space<hbm>> -> memref<100000x64xf32, #tpu.memory_space<hbm>>
    tpu.enqueue_indirect_dma source(%dma_start3A_37 : memref<100000x64xf32, #tpu.memory_space<hbm>>) target(%dma_start3A_31 : memref<200x64xf32, #tpu.memory_space<vmem>>) offsets(%dma_start3A_34 : memref<200xi32, #tpu.memory_space<vmem>>) semaphore(%arg9 : memref<!tpu.dma_semaphore, #tpu.memory_space<semaphore_mem>>)
    %dma_start3A_38 = arith.constant 3 : i32
    %dma_start3A_39 = arith.constant 3 : i32
    %dma_start3A_40 = arith.constant 0 : i32
    %dma_start3A_41 = arith.constant 0 : i32
    %dma_start3A_42 = tpu.memref_slice %arg6[%dma_start3A_39, %dma_start3A_40, %dma_start3A_41] : memref<6x200x64xf32, #tpu.memory_space<vmem>> -> memref<1x200x64xf32, #tpu.memory_space<vmem>>
    %dma_start3A_43 = tpu.memref_squeeze %dma_start3A_42 : memref<1x200x64xf32, #tpu.memory_space<vmem>> -> memref<200x64xf32, #tpu.memory_space<vmem>>
    %dma_start3A_44 = arith.constant 0 : i32
    %dma_start3A_45 = tpu.memref_slice %arg5[%dma_start3A_38, %dma_start3A_44] : memref<128x200xi32, #tpu.memory_space<vmem>> -> memref<1x200xi32, #tpu.memory_space<vmem>>
    %dma_start3A_46 = tpu.memref_squeeze %dma_start3A_45 : memref<1x200xi32, #tpu.memory_space<vmem>> -> memref<200xi32, #tpu.memory_space<vmem>>
    %dma_start3A_47 = arith.constant 0 : i32
    %dma_start3A_48 = arith.constant 0 : i32
    %dma_start3A_49 = tpu.memref_slice %arg3[%dma_start3A_47, %dma_start3A_48] : memref<100000x64xf32, #tpu.memory_space<hbm>> -> memref<100000x64xf32, #tpu.memory_space<hbm>>
    tpu.enqueue_indirect_dma source(%dma_start3A_49 : memref<100000x64xf32, #tpu.memory_space<hbm>>) target(%dma_start3A_43 : memref<200x64xf32, #tpu.memory_space<vmem>>) offsets(%dma_start3A_46 : memref<200xi32, #tpu.memory_space<vmem>>) semaphore(%arg10 : memref<!tpu.dma_semaphore, #tpu.memory_space<semaphore_mem>>)
    %dma_wait3A = arith.constant 0 : i32
    %dma_wait3A_50 = arith.constant 0 : i32
    %dma_wait3A_51 = arith.constant 0 : i32
    %dma_wait3A_52 = arith.constant 0 : i32
    %dma_wait3A_53 = tpu.memref_slice %arg6[%dma_wait3A_50, %dma_wait3A_51, %dma_wait3A_52] : memref<6x200x64xf32, #tpu.memory_space<vmem>> -> memref<1x200x64xf32, #tpu.memory_space<vmem>>
    %dma_wait3A_54 = tpu.memref_squeeze %dma_wait3A_53 : memref<1x200x64xf32, #tpu.memory_space<vmem>> -> memref<200x64xf32, #tpu.memory_space<vmem>>
    %dma_wait3A_55 = arith.constant 0 : i32
    %dma_wait3A_56 = tpu.memref_slice %arg5[%dma_wait3A, %dma_wait3A_55] : memref<128x200xi32, #tpu.memory_space<vmem>> -> memref<1x200xi32, #tpu.memory_space<vmem>>
    %dma_wait3A_57 = tpu.memref_squeeze %dma_wait3A_56 : memref<1x200xi32, #tpu.memory_space<vmem>> -> memref<200xi32, #tpu.memory_space<vmem>>
    %dma_wait3A_58 = arith.constant 0 : i32
    %dma_wait3A_59 = arith.constant 0 : i32
    %dma_wait3A_60 = tpu.memref_slice %arg3[%dma_wait3A_58, %dma_wait3A_59] : memref<100000x64xf32, #tpu.memory_space<hbm>> -> memref<100000x64xf32, #tpu.memory_space<hbm>>
    tpu.wait_indirect_dma semaphore(%arg7 : memref<!tpu.dma_semaphore, #tpu.memory_space<semaphore_mem>>) src(%dma_wait3A_60 : memref<100000x64xf32, #tpu.memory_space<hbm>>) dst(%dma_wait3A_54 : memref<200x64xf32, #tpu.memory_space<vmem>>)
    %add3A_61 = arith.constant 0 : i32
    %add3A_62 = arith.addi %mul3A_2, %add3A_61 : i32
    %dma_start3A_63 = arith.constant 0 : i32
    %dma_start3A_64 = arith.constant 0 : i32
    %dma_start3A_65 = arith.constant 0 : i32
    %dma_start3A_66 = tpu.memref_slice %arg6[%dma_start3A_63, %dma_start3A_64, %dma_start3A_65] : memref<6x200x64xf32, #tpu.memory_space<vmem>> -> memref<1x200x64xf32, #tpu.memory_space<vmem>>
    %dma_start3A_67 = tpu.memref_squeeze %dma_start3A_66 : memref<1x200x64xf32, #tpu.memory_space<vmem>> -> memref<200x64xf32, #tpu.memory_space<vmem>>
    %dma_start3A_68 = arith.constant 0 : i32
    %dma_start3A_69 = arith.constant 0 : i32
    %dma_start3A_70 = tpu.memref_slice %arg4[%add3A_62, %dma_start3A_68, %dma_start3A_69] : memref<4096x200x64xf32, #tpu.memory_space<hbm>> -> memref<1x200x64xf32, #tpu.memory_space<hbm>>
    %dma_start3A_71 = tpu.memref_squeeze %dma_start3A_70 : memref<1x200x64xf32, #tpu.memory_space<hbm>> -> memref<200x64xf32, #tpu.memory_space<hbm>>
    %dma_start3A_72 = arith.constant 0 : i32
    %dma_start3A_73 = arith.constant 0 : i32
    %dma_start3A_74 = tpu.memref_slice %arg4[%add3A_62, %dma_start3A_72, %dma_start3A_73] : memref<4096x200x64xf32, #tpu.memory_space<hbm>> -> memref<1x200x64xf32, #tpu.memory_space<hbm>>
    %dma_start3A_75 = tpu.memref_squeeze %dma_start3A_74 : memref<1x200x64xf32, #tpu.memory_space<hbm>> -> memref<200x64xf32, #tpu.memory_space<hbm>>
    %dma_start3A_76 = arith.constant 0 : i32
    %dma_start3A_77 = arith.constant 0 : i32
    %dma_start3A_78 = tpu.memref_slice %arg6[%dma_start3A_63, %dma_start3A_76, %dma_start3A_77] : memref<6x200x64xf32, #tpu.memory_space<vmem>> -> memref<1x200x64xf32, #tpu.memory_space<vmem>>
    %dma_start3A_79 = tpu.memref_squeeze %dma_start3A_78 : memref<1x200x64xf32, #tpu.memory_space<vmem>> -> memref<200x64xf32, #tpu.memory_space<vmem>>
    tpu.enqueue_dma source(%dma_start3A_79 : memref<200x64xf32, #tpu.memory_space<vmem>>) target(%dma_start3A_75 : memref<200x64xf32, #tpu.memory_space<hbm>>) target_semaphore(%arg13 : memref<!tpu.dma_semaphore, #tpu.memory_space<semaphore_mem>>)
    %dma_start3A_80 = arith.constant 4 : i32
    %dma_start3A_81 = arith.constant 4 : i32
    %dma_start3A_82 = arith.constant 0 : i32
    %dma_start3A_83 = arith.constant 0 : i32
    %dma_start3A_84 = tpu.memref_slice %arg6[%dma_start3A_81, %dma_start3A_82, %dma_start3A_83] : memref<6x200x64xf32, #tpu.memory_space<vmem>> -> memref<1x200x64xf32, #tpu.memory_space<vmem>>
    %dma_start3A_85 = tpu.memref_squeeze %dma_start3A_84 : memref<1x200x64xf32, #tpu.memory_space<vmem>> -> memref<200x64xf32, #tpu.memory_space<vmem>>
    %dma_start3A_86 = arith.constant 0 : i32
    %dma_start3A_87 = tpu.memref_slice %arg5[%dma_start3A_80, %dma_start3A_86] : memref<128x200xi32, #tpu.memory_space<vmem>> -> memref<1x200xi32, #tpu.memory_space<vmem>>
    %dma_start3A_88 = tpu.memref_squeeze %dma_start3A_87 : memref<1x200xi32, #tpu.memory_space<vmem>> -> memref<200xi32, #tpu.memory_space<vmem>>
    %dma_start3A_89 = arith.constant 0 : i32
    %dma_start3A_90 = arith.constant 0 : i32
    %dma_start3A_91 = tpu.memref_slice %arg3[%dma_start3A_89, %dma_start3A_90] : memref<100000x64xf32, #tpu.memory_space<hbm>> -> memref<100000x64xf32, #tpu.memory_space<hbm>>
    tpu.enqueue_indirect_dma source(%dma_start3A_91 : memref<100000x64xf32, #tpu.memory_space<hbm>>) target(%dma_start3A_85 : memref<200x64xf32, #tpu.memory_space<vmem>>) offsets(%dma_start3A_88 : memref<200xi32, #tpu.memory_space<vmem>>) semaphore(%arg11 : memref<!tpu.dma_semaphore, #tpu.memory_space<semaphore_mem>>)
    %dma_wait3A_92 = arith.constant 1 : i32
    %dma_wait3A_93 = arith.constant 1 : i32
    %dma_wait3A_94 = arith.constant 0 : i32
    %dma_wait3A_95 = arith.constant 0 : i32
    %dma_wait3A_96 = tpu.memref_slice %arg6[%dma_wait3A_93, %dma_wait3A_94, %dma_wait3A_95] : memref<6x200x64xf32, #tpu.memory_space<vmem>> -> memref<1x200x64xf32, #tpu.memory_space<vmem>>
    %dma_wait3A_97 = tpu.memref_squeeze %dma_wait3A_96 : memref<1x200x64xf32, #tpu.memory_space<vmem>> -> memref<200x64xf32, #tpu.memory_space<vmem>>
    %dma_wait3A_98 = arith.constant 0 : i32
    %dma_wait3A_99 = tpu.memref_slice %arg5[%dma_wait3A_92, %dma_wait3A_98] : memref<128x200xi32, #tpu.memory_space<vmem>> -> memref<1x200xi32, #tpu.memory_space<vmem>>
    %dma_wait3A_100 = tpu.memref_squeeze %dma_wait3A_99 : memref<1x200xi32, #tpu.memory_space<vmem>> -> memref<200xi32, #tpu.memory_space<vmem>>
    %dma_wait3A_101 = arith.constant 0 : i32
    %dma_wait3A_102 = arith.constant 0 : i32
    %dma_wait3A_103 = tpu.memref_slice %arg3[%dma_wait3A_101, %dma_wait3A_102] : memref<100000x64xf32, #tpu.memory_space<hbm>> -> memref<100000x64xf32, #tpu.memory_space<hbm>>
    tpu.wait_indirect_dma semaphore(%arg8 : memref<!tpu.dma_semaphore, #tpu.memory_space<semaphore_mem>>) src(%dma_wait3A_103 : memref<100000x64xf32, #tpu.memory_space<hbm>>) dst(%dma_wait3A_97 : memref<200x64xf32, #tpu.memory_space<vmem>>)
    %add3A_104 = arith.constant 1 : i32
    %add3A_105 = arith.addi %mul3A_2, %add3A_104 : i32
    %dma_start3A_106 = arith.constant 1 : i32
    %dma_start3A_107 = arith.constant 0 : i32
    %dma_start3A_108 = arith.constant 0 : i32
    %dma_start3A_109 = tpu.memref_slice %arg6[%dma_start3A_106, %dma_start3A_107, %dma_start3A_108] : memref<6x200x64xf32, #tpu.memory_space<vmem>> -> memref<1x200x64xf32, #tpu.memory_space<vmem>>
    %dma_start3A_110 = tpu.memref_squeeze %dma_start3A_109 : memref<1x200x64xf32, #tpu.memory_space<vmem>> -> memref<200x64xf32, #tpu.memory_space<vmem>>
    %dma_start3A_111 = arith.constant 0 : i32
    %dma_start3A_112 = arith.constant 0 : i32
    %dma_start3A_113 = tpu.memref_slice %arg4[%add3A_105, %dma_start3A_111, %dma_start3A_112] : memref<4096x200x64xf32, #tpu.memory_space<hbm>> -> memref<1x200x64xf32, #tpu.memory_space<hbm>>
    %dma_start3A_114 = tpu.memref_squeeze %dma_start3A_113 : memref<1x200x64xf32, #tpu.memory_space<hbm>> -> memref<200x64xf32, #tpu.memory_space<hbm>>
    %dma_start3A_115 = arith.constant 0 : i32
    %dma_start3A_116 = arith.constant 0 : i32
    %dma_start3A_117 = tpu.memref_slice %arg4[%add3A_105, %dma_start3A_115, %dma_start3A_116] : memref<4096x200x64xf32, #tpu.memory_space<hbm>> -> memref<1x200x64xf32, #tpu.memory_space<hbm>>
    %dma_start3A_118 = tpu.memref_squeeze %dma_start3A_117 : memref<1x200x64xf32, #tpu.memory_space<hbm>> -> memref<200x64xf32, #tpu.memory_space<hbm>>
    %dma_start3A_119 = arith.constant 0 : i32
    %dma_start3A_120 = arith.constant 0 : i32
    %dma_start3A_121 = tpu.memref_slice %arg6[%dma_start3A_106, %dma_start3A_119, %dma_start3A_120] : memref<6x200x64xf32, #tpu.memory_space<vmem>> -> memref<1x200x64xf32, #tpu.memory_space<vmem>>
    %dma_start3A_122 = tpu.memref_squeeze %dma_start3A_121 : memref<1x200x64xf32, #tpu.memory_space<vmem>> -> memref<200x64xf32, #tpu.memory_space<vmem>>
    tpu.enqueue_dma source(%dma_start3A_122 : memref<200x64xf32, #tpu.memory_space<vmem>>) target(%dma_start3A_118 : memref<200x64xf32, #tpu.memory_space<hbm>>) target_semaphore(%arg14 : memref<!tpu.dma_semaphore, #tpu.memory_space<semaphore_mem>>)
    %dma_start3A_123 = arith.constant 5 : i32
    %dma_start3A_124 = arith.constant 5 : i32
    %dma_start3A_125 = arith.constant 0 : i32
    %dma_start3A_126 = arith.constant 0 : i32
    %dma_start3A_127 = tpu.memref_slice %arg6[%dma_start3A_124, %dma_start3A_125, %dma_start3A_126] : memref<6x200x64xf32, #tpu.memory_space<vmem>> -> memref<1x200x64xf32, #tpu.memory_space<vmem>>
    %dma_start3A_128 = tpu.memref_squeeze %dma_start3A_127 : memref<1x200x64xf32, #tpu.memory_space<vmem>> -> memref<200x64xf32, #tpu.memory_space<vmem>>
    %dma_start3A_129 = arith.constant 0 : i32
    %dma_start3A_130 = tpu.memref_slice %arg5[%dma_start3A_123, %dma_start3A_129] : memref<128x200xi32, #tpu.memory_space<vmem>> -> memref<1x200xi32, #tpu.memory_space<vmem>>
    %dma_start3A_131 = tpu.memref_squeeze %dma_start3A_130 : memref<1x200xi32, #tpu.memory_space<vmem>> -> memref<200xi32, #tpu.memory_space<vmem>>
    %dma_start3A_132 = arith.constant 0 : i32
    %dma_start3A_133 = arith.constant 0 : i32
    %dma_start3A_134 = tpu.memref_slice %arg3[%dma_start3A_132, %dma_start3A_133] : memref<100000x64xf32, #tpu.memory_space<hbm>> -> memref<100000x64xf32, #tpu.memory_space<hbm>>
    tpu.enqueue_indirect_dma source(%dma_start3A_134 : memref<100000x64xf32, #tpu.memory_space<hbm>>) target(%dma_start3A_128 : memref<200x64xf32, #tpu.memory_space<vmem>>) offsets(%dma_start3A_131 : memref<200xi32, #tpu.memory_space<vmem>>) semaphore(%arg12 : memref<!tpu.dma_semaphore, #tpu.memory_space<semaphore_mem>>)
    %dma_wait3A_135 = arith.constant 2 : i32
    %dma_wait3A_136 = arith.constant 2 : i32
    %dma_wait3A_137 = arith.constant 0 : i32
    %dma_wait3A_138 = arith.constant 0 : i32
    %dma_wait3A_139 = tpu.memref_slice %arg6[%dma_wait3A_136, %dma_wait3A_137, %dma_wait3A_138] : memref<6x200x64xf32, #tpu.memory_space<vmem>> -> memref<1x200x64xf32, #tpu.memory_space<vmem>>
    %dma_wait3A_140 = tpu.memref_squeeze %dma_wait3A_139 : memref<1x200x64xf32, #tpu.memory_space<vmem>> -> memref<200x64xf32, #tpu.memory_space<vmem>>
    %dma_wait3A_141 = arith.constant 0 : i32
    %dma_wait3A_142 = tpu.memref_slice %arg5[%dma_wait3A_135, %dma_wait3A_141] : memref<128x200xi32, #tpu.memory_space<vmem>> -> memref<1x200xi32, #tpu.memory_space<vmem>>
    %dma_wait3A_143 = tpu.memref_squeeze %dma_wait3A_142 : memref<1x200xi32, #tpu.memory_space<vmem>> -> memref<200xi32, #tpu.memory_space<vmem>>
    %dma_wait3A_144 = arith.constant 0 : i32
    %dma_wait3A_145 = arith.constant 0 : i32
    %dma_wait3A_146 = tpu.memref_slice %arg3[%dma_wait3A_144, %dma_wait3A_145] : memref<100000x64xf32, #tpu.memory_space<hbm>> -> memref<100000x64xf32, #tpu.memory_space<hbm>>
    tpu.wait_indirect_dma semaphore(%arg9 : memref<!tpu.dma_semaphore, #tpu.memory_space<semaphore_mem>>) src(%dma_wait3A_146 : memref<100000x64xf32, #tpu.memory_space<hbm>>) dst(%dma_wait3A_140 : memref<200x64xf32, #tpu.memory_space<vmem>>)
    %add3A_147 = arith.constant 2 : i32
    %add3A_148 = arith.addi %mul3A_2, %add3A_147 : i32
    %dma_start3A_149 = arith.constant 2 : i32
    %dma_start3A_150 = arith.constant 0 : i32
    %dma_start3A_151 = arith.constant 0 : i32
    %dma_start3A_152 = tpu.memref_slice %arg6[%dma_start3A_149, %dma_start3A_150, %dma_start3A_151] : memref<6x200x64xf32, #tpu.memory_space<vmem>> -> memref<1x200x64xf32, #tpu.memory_space<vmem>>
    %dma_start3A_153 = tpu.memref_squeeze %dma_start3A_152 : memref<1x200x64xf32, #tpu.memory_space<vmem>> -> memref<200x64xf32, #tpu.memory_space<vmem>>
    %dma_start3A_154 = arith.constant 0 : i32
    %dma_start3A_155 = arith.constant 0 : i32
    %dma_start3A_156 = tpu.memref_slice %arg4[%add3A_148, %dma_start3A_154, %dma_start3A_155] : memref<4096x200x64xf32, #tpu.memory_space<hbm>> -> memref<1x200x64xf32, #tpu.memory_space<hbm>>
    %dma_start3A_157 = tpu.memref_squeeze %dma_start3A_156 : memref<1x200x64xf32, #tpu.memory_space<hbm>> -> memref<200x64xf32, #tpu.memory_space<hbm>>
    %dma_start3A_158 = arith.constant 0 : i32
    %dma_start3A_159 = arith.constant 0 : i32
    %dma_start3A_160 = tpu.memref_slice %arg4[%add3A_148, %dma_start3A_158, %dma_start3A_159] : memref<4096x200x64xf32, #tpu.memory_space<hbm>> -> memref<1x200x64xf32, #tpu.memory_space<hbm>>
    %dma_start3A_161 = tpu.memref_squeeze %dma_start3A_160 : memref<1x200x64xf32, #tpu.memory_space<hbm>> -> memref<200x64xf32, #tpu.memory_space<hbm>>
    %dma_start3A_162 = arith.constant 0 : i32
    %dma_start3A_163 = arith.constant 0 : i32
    %dma_start3A_164 = tpu.memref_slice %arg6[%dma_start3A_149, %dma_start3A_162, %dma_start3A_163] : memref<6x200x64xf32, #tpu.memory_space<vmem>> -> memref<1x200x64xf32, #tpu.memory_space<vmem>>
    %dma_start3A_165 = tpu.memref_squeeze %dma_start3A_164 : memref<1x200x64xf32, #tpu.memory_space<vmem>> -> memref<200x64xf32, #tpu.memory_space<vmem>>
    tpu.enqueue_dma source(%dma_start3A_165 : memref<200x64xf32, #tpu.memory_space<vmem>>) target(%dma_start3A_161 : memref<200x64xf32, #tpu.memory_space<hbm>>) target_semaphore(%arg15 : memref<!tpu.dma_semaphore, #tpu.memory_space<semaphore_mem>>)
    %scan3A = arith.constant 0 : i32
    %scan3A_166 = arith.constant 0 : i32
    %scan3A_167 = arith.constant 20 : i32
    %scan3A_168 = arith.addi %scan3A_166, %scan3A_167 : i32
    %scan3A_169 = arith.constant 1 : i32
    scf.for %scan3A_502 = %scan3A_166 to %scan3A_168 step %scan3A_169  : i32 {
      %mul3A_503 = arith.constant 6 : i32
      %mul3A_504 = arith.muli %scan3A_502, %mul3A_503 : i32
      %add3A_505 = arith.constant 3 : i32
      %add3A_506 = arith.addi %add3A_505, %mul3A_504 : i32
      %add3A_507 = arith.constant 0 : i32
      %add3A_508 = arith.addi %add3A_506, %add3A_507 : i32
      %add3A_509 = arith.constant 3 : i32
      %add3A_510 = arith.addi %add3A_508, %add3A_509 : i32
      %sub3A = arith.constant 6 : i32
      %sub3A_511 = arith.subi %add3A_510, %sub3A : i32
      %add3A_512 = arith.addi %mul3A_2, %sub3A_511 : i32
      %dma_wait3A_513 = arith.constant 0 : i32
      %dma_wait3A_514 = arith.constant 0 : i32
      %dma_wait3A_515 = arith.constant 0 : i32
      %dma_wait3A_516 = tpu.memref_slice %arg6[%dma_wait3A_513, %dma_wait3A_514, %dma_wait3A_515] : memref<6x200x64xf32, #tpu.memory_space<vmem>> -> memref<1x200x64xf32, #tpu.memory_space<vmem>>
      %dma_wait3A_517 = tpu.memref_squeeze %dma_wait3A_516 : memref<1x200x64xf32, #tpu.memory_space<vmem>> -> memref<200x64xf32, #tpu.memory_space<vmem>>
      %dma_wait3A_518 = arith.constant 0 : i32
      %dma_wait3A_519 = arith.constant 0 : i32
      %dma_wait3A_520 = tpu.memref_slice %arg4[%add3A_512, %dma_wait3A_518, %dma_wait3A_519] : memref<4096x200x64xf32, #tpu.memory_space<hbm>> -> memref<1x200x64xf32, #tpu.memory_space<hbm>>
      %dma_wait3A_521 = tpu.memref_squeeze %dma_wait3A_520 : memref<1x200x64xf32, #tpu.memory_space<hbm>> -> memref<200x64xf32, #tpu.memory_space<hbm>>
      %dma_wait3A_522 = arith.constant 0 : i32
      %dma_wait3A_523 = arith.constant 0 : i32
      %dma_wait3A_524 = tpu.memref_slice %arg4[%add3A_512, %dma_wait3A_522, %dma_wait3A_523] : memref<4096x200x64xf32, #tpu.memory_space<hbm>> -> memref<1x200x64xf32, #tpu.memory_space<hbm>>
      %dma_wait3A_525 = tpu.memref_squeeze %dma_wait3A_524 : memref<1x200x64xf32, #tpu.memory_space<hbm>> -> memref<200x64xf32, #tpu.memory_space<hbm>>
      %dma_wait3A_526 = arith.constant 0 : i32
      %dma_wait3A_527 = arith.constant 0 : i32
      %dma_wait3A_528 = tpu.memref_slice %arg6[%dma_wait3A_513, %dma_wait3A_526, %dma_wait3A_527] : memref<6x200x64xf32, #tpu.memory_space<vmem>> -> memref<1x200x64xf32, #tpu.memory_space<vmem>>
      %dma_wait3A_529 = tpu.memref_squeeze %dma_wait3A_528 : memref<1x200x64xf32, #tpu.memory_space<vmem>> -> memref<200x64xf32, #tpu.memory_space<vmem>>
      tpu.wait_dma2 semaphore(%arg13 : memref<!tpu.dma_semaphore, #tpu.memory_space<semaphore_mem>>) src(%dma_wait3A_529 : memref<200x64xf32, #tpu.memory_space<vmem>>) dst(%dma_wait3A_525 : memref<200x64xf32, #tpu.memory_space<hbm>>)
      %add3A_530 = arith.constant 3 : i32
      %add3A_531 = arith.addi %add3A_508, %add3A_530 : i32
      %dma_start3A_532 = arith.constant 0 : i32
      %dma_start3A_533 = arith.constant 0 : i32
      %dma_start3A_534 = arith.constant 0 : i32
      %dma_start3A_535 = tpu.memref_slice %arg6[%dma_start3A_532, %dma_start3A_533, %dma_start3A_534] : memref<6x200x64xf32, #tpu.memory_space<vmem>> -> memref<1x200x64xf32, #tpu.memory_space<vmem>>
      %dma_start3A_536 = tpu.memref_squeeze %dma_start3A_535 : memref<1x200x64xf32, #tpu.memory_space<vmem>> -> memref<200x64xf32, #tpu.memory_space<vmem>>
      %dma_start3A_537 = arith.constant 0 : i32
      %dma_start3A_538 = tpu.memref_slice %arg5[%add3A_531, %dma_start3A_537] : memref<128x200xi32, #tpu.memory_space<vmem>> -> memref<1x200xi32, #tpu.memory_space<vmem>>
      %dma_start3A_539 = tpu.memref_squeeze %dma_start3A_538 : memref<1x200xi32, #tpu.memory_space<vmem>> -> memref<200xi32, #tpu.memory_space<vmem>>
      %dma_start3A_540 = arith.constant 0 : i32
      %dma_start3A_541 = arith.constant 0 : i32
      %dma_start3A_542 = tpu.memref_slice %arg3[%dma_start3A_540, %dma_start3A_541] : memref<100000x64xf32, #tpu.memory_space<hbm>> -> memref<100000x64xf32, #tpu.memory_space<hbm>>
      tpu.enqueue_indirect_dma source(%dma_start3A_542 : memref<100000x64xf32, #tpu.memory_space<hbm>>) target(%dma_start3A_536 : memref<200x64xf32, #tpu.memory_space<vmem>>) offsets(%dma_start3A_539 : memref<200xi32, #tpu.memory_space<vmem>>) semaphore(%arg7 : memref<!tpu.dma_semaphore, #tpu.memory_space<semaphore_mem>>)
      %dma_wait3A_543 = arith.constant 3 : i32
      %dma_wait3A_544 = arith.constant 0 : i32
      %dma_wait3A_545 = arith.constant 0 : i32
      %dma_wait3A_546 = tpu.memref_slice %arg6[%dma_wait3A_543, %dma_wait3A_544, %dma_wait3A_545] : memref<6x200x64xf32, #tpu.memory_space<vmem>> -> memref<1x200x64xf32, #tpu.memory_space<vmem>>
      %dma_wait3A_547 = tpu.memref_squeeze %dma_wait3A_546 : memref<1x200x64xf32, #tpu.memory_space<vmem>> -> memref<200x64xf32, #tpu.memory_space<vmem>>
      %dma_wait3A_548 = arith.constant 0 : i32
      %dma_wait3A_549 = tpu.memref_slice %arg5[%add3A_508, %dma_wait3A_548] : memref<128x200xi32, #tpu.memory_space<vmem>> -> memref<1x200xi32, #tpu.memory_space<vmem>>
      %dma_wait3A_550 = tpu.memref_squeeze %dma_wait3A_549 : memref<1x200xi32, #tpu.memory_space<vmem>> -> memref<200xi32, #tpu.memory_space<vmem>>
      %dma_wait3A_551 = arith.constant 0 : i32
      %dma_wait3A_552 = arith.constant 0 : i32
      %dma_wait3A_553 = tpu.memref_slice %arg3[%dma_wait3A_551, %dma_wait3A_552] : memref<100000x64xf32, #tpu.memory_space<hbm>> -> memref<100000x64xf32, #tpu.memory_space<hbm>>
      tpu.wait_indirect_dma semaphore(%arg10 : memref<!tpu.dma_semaphore, #tpu.memory_space<semaphore_mem>>) src(%dma_wait3A_553 : memref<100000x64xf32, #tpu.memory_space<hbm>>) dst(%dma_wait3A_547 : memref<200x64xf32, #tpu.memory_space<vmem>>)
      %add3A_554 = arith.addi %mul3A_2, %add3A_508 : i32
      %dma_start3A_555 = arith.constant 3 : i32
      %dma_start3A_556 = arith.constant 0 : i32
      %dma_start3A_557 = arith.constant 0 : i32
      %dma_start3A_558 = tpu.memref_slice %arg6[%dma_start3A_555, %dma_start3A_556, %dma_start3A_557] : memref<6x200x64xf32, #tpu.memory_space<vmem>> -> memref<1x200x64xf32, #tpu.memory_space<vmem>>
      %dma_start3A_559 = tpu.memref_squeeze %dma_start3A_558 : memref<1x200x64xf32, #tpu.memory_space<vmem>> -> memref<200x64xf32, #tpu.memory_space<vmem>>
      %dma_start3A_560 = arith.constant 0 : i32
      %dma_start3A_561 = arith.constant 0 : i32
      %dma_start3A_562 = tpu.memref_slice %arg4[%add3A_554, %dma_start3A_560, %dma_start3A_561] : memref<4096x200x64xf32, #tpu.memory_space<hbm>> -> memref<1x200x64xf32, #tpu.memory_space<hbm>>
      %dma_start3A_563 = tpu.memref_squeeze %dma_start3A_562 : memref<1x200x64xf32, #tpu.memory_space<hbm>> -> memref<200x64xf32, #tpu.memory_space<hbm>>
      %dma_start3A_564 = arith.constant 0 : i32
      %dma_start3A_565 = arith.constant 0 : i32
      %dma_start3A_566 = tpu.memref_slice %arg4[%add3A_554, %dma_start3A_564, %dma_start3A_565] : memref<4096x200x64xf32, #tpu.memory_space<hbm>> -> memref<1x200x64xf32, #tpu.memory_space<hbm>>
      %dma_start3A_567 = tpu.memref_squeeze %dma_start3A_566 : memref<1x200x64xf32, #tpu.memory_space<hbm>> -> memref<200x64xf32, #tpu.memory_space<hbm>>
      %dma_start3A_568 = arith.constant 0 : i32
      %dma_start3A_569 = arith.constant 0 : i32
      %dma_start3A_570 = tpu.memref_slice %arg6[%dma_start3A_555, %dma_start3A_568, %dma_start3A_569] : memref<6x200x64xf32, #tpu.memory_space<vmem>> -> memref<1x200x64xf32, #tpu.memory_space<vmem>>
      %dma_start3A_571 = tpu.memref_squeeze %dma_start3A_570 : memref<1x200x64xf32, #tpu.memory_space<vmem>> -> memref<200x64xf32, #tpu.memory_space<vmem>>
      tpu.enqueue_dma source(%dma_start3A_571 : memref<200x64xf32, #tpu.memory_space<vmem>>) target(%dma_start3A_567 : memref<200x64xf32, #tpu.memory_space<hbm>>) target_semaphore(%arg16 : memref<!tpu.dma_semaphore, #tpu.memory_space<semaphore_mem>>)
      %mul3A_572 = arith.constant 6 : i32
      %mul3A_573 = arith.muli %scan3A_502, %mul3A_572 : i32
      %add3A_574 = arith.constant 3 : i32
      %add3A_575 = arith.addi %add3A_574, %mul3A_573 : i32
      %add3A_576 = arith.constant 1 : i32
      %add3A_577 = arith.addi %add3A_575, %add3A_576 : i32
      %add3A_578 = arith.constant 3 : i32
      %add3A_579 = arith.addi %add3A_577, %add3A_578 : i32
      %sub3A_580 = arith.constant 6 : i32
      %sub3A_581 = arith.subi %add3A_579, %sub3A_580 : i32
      %add3A_582 = arith.addi %mul3A_2, %sub3A_581 : i32
      %dma_wait3A_583 = arith.constant 1 : i32
      %dma_wait3A_584 = arith.constant 0 : i32
      %dma_wait3A_585 = arith.constant 0 : i32
      %dma_wait3A_586 = tpu.memref_slice %arg6[%dma_wait3A_583, %dma_wait3A_584, %dma_wait3A_585] : memref<6x200x64xf32, #tpu.memory_space<vmem>> -> memref<1x200x64xf32, #tpu.memory_space<vmem>>
      %dma_wait3A_587 = tpu.memref_squeeze %dma_wait3A_586 : memref<1x200x64xf32, #tpu.memory_space<vmem>> -> memref<200x64xf32, #tpu.memory_space<vmem>>
      %dma_wait3A_588 = arith.constant 0 : i32
      %dma_wait3A_589 = arith.constant 0 : i32
      %dma_wait3A_590 = tpu.memref_slice %arg4[%add3A_582, %dma_wait3A_588, %dma_wait3A_589] : memref<4096x200x64xf32, #tpu.memory_space<hbm>> -> memref<1x200x64xf32, #tpu.memory_space<hbm>>
      %dma_wait3A_591 = tpu.memref_squeeze %dma_wait3A_590 : memref<1x200x64xf32, #tpu.memory_space<hbm>> -> memref<200x64xf32, #tpu.memory_space<hbm>>
      %dma_wait3A_592 = arith.constant 0 : i32
      %dma_wait3A_593 = arith.constant 0 : i32
      %dma_wait3A_594 = tpu.memref_slice %arg4[%add3A_582, %dma_wait3A_592, %dma_wait3A_593] : memref<4096x200x64xf32, #tpu.memory_space<hbm>> -> memref<1x200x64xf32, #tpu.memory_space<hbm>>
      %dma_wait3A_595 = tpu.memref_squeeze %dma_wait3A_594 : memref<1x200x64xf32, #tpu.memory_space<hbm>> -> memref<200x64xf32, #tpu.memory_space<hbm>>
      %dma_wait3A_596 = arith.constant 0 : i32
      %dma_wait3A_597 = arith.constant 0 : i32
      %dma_wait3A_598 = tpu.memref_slice %arg6[%dma_wait3A_583, %dma_wait3A_596, %dma_wait3A_597] : memref<6x200x64xf32, #tpu.memory_space<vmem>> -> memref<1x200x64xf32, #tpu.memory_space<vmem>>
      %dma_wait3A_599 = tpu.memref_squeeze %dma_wait3A_598 : memref<1x200x64xf32, #tpu.memory_space<vmem>> -> memref<200x64xf32, #tpu.memory_space<vmem>>
      tpu.wait_dma2 semaphore(%arg14 : memref<!tpu.dma_semaphore, #tpu.memory_space<semaphore_mem>>) src(%dma_wait3A_599 : memref<200x64xf32, #tpu.memory_space<vmem>>) dst(%dma_wait3A_595 : memref<200x64xf32, #tpu.memory_space<hbm>>)
      %add3A_600 = arith.constant 3 : i32
      %add3A_601 = arith.addi %add3A_577, %add3A_600 : i32
      %dma_start3A_602 = arith.constant 1 : i32
      %dma_start3A_603 = arith.constant 0 : i32
      %dma_start3A_604 = arith.constant 0 : i32
      %dma_start3A_605 = tpu.memref_slice %arg6[%dma_start3A_602, %dma_start3A_603, %dma_start3A_604] : memref<6x200x64xf32, #tpu.memory_space<vmem>> -> memref<1x200x64xf32, #tpu.memory_space<vmem>>
      %dma_start3A_606 = tpu.memref_squeeze %dma_start3A_605 : memref<1x200x64xf32, #tpu.memory_space<vmem>> -> memref<200x64xf32, #tpu.memory_space<vmem>>
      %dma_start3A_607 = arith.constant 0 : i32
      %dma_start3A_608 = tpu.memref_slice %arg5[%add3A_601, %dma_start3A_607] : memref<128x200xi32, #tpu.memory_space<vmem>> -> memref<1x200xi32, #tpu.memory_space<vmem>>
      %dma_start3A_609 = tpu.memref_squeeze %dma_start3A_608 : memref<1x200xi32, #tpu.memory_space<vmem>> -> memref<200xi32, #tpu.memory_space<vmem>>
      %dma_start3A_610 = arith.constant 0 : i32
      %dma_start3A_611 = arith.constant 0 : i32
      %dma_start3A_612 = tpu.memref_slice %arg3[%dma_start3A_610, %dma_start3A_611] : memref<100000x64xf32, #tpu.memory_space<hbm>> -> memref<100000x64xf32, #tpu.memory_space<hbm>>
      tpu.enqueue_indirect_dma source(%dma_start3A_612 : memref<100000x64xf32, #tpu.memory_space<hbm>>) target(%dma_start3A_606 : memref<200x64xf32, #tpu.memory_space<vmem>>) offsets(%dma_start3A_609 : memref<200xi32, #tpu.memory_space<vmem>>) semaphore(%arg8 : memref<!tpu.dma_semaphore, #tpu.memory_space<semaphore_mem>>)
      %dma_wait3A_613 = arith.constant 4 : i32
      %dma_wait3A_614 = arith.constant 0 : i32
      %dma_wait3A_615 = arith.constant 0 : i32
      %dma_wait3A_616 = tpu.memref_slice %arg6[%dma_wait3A_613, %dma_wait3A_614, %dma_wait3A_615] : memref<6x200x64xf32, #tpu.memory_space<vmem>> -> memref<1x200x64xf32, #tpu.memory_space<vmem>>
      %dma_wait3A_617 = tpu.memref_squeeze %dma_wait3A_616 : memref<1x200x64xf32, #tpu.memory_space<vmem>> -> memref<200x64xf32, #tpu.memory_space<vmem>>
      %dma_wait3A_618 = arith.constant 0 : i32
      %dma_wait3A_619 = tpu.memref_slice %arg5[%add3A_577, %dma_wait3A_618] : memref<128x200xi32, #tpu.memory_space<vmem>> -> memref<1x200xi32, #tpu.memory_space<vmem>>
      %dma_wait3A_620 = tpu.memref_squeeze %dma_wait3A_619 : memref<1x200xi32, #tpu.memory_space<vmem>> -> memref<200xi32, #tpu.memory_space<vmem>>
      %dma_wait3A_621 = arith.constant 0 : i32
      %dma_wait3A_622 = arith.constant 0 : i32
      %dma_wait3A_623 = tpu.memref_slice %arg3[%dma_wait3A_621, %dma_wait3A_622] : memref<100000x64xf32, #tpu.memory_space<hbm>> -> memref<100000x64xf32, #tpu.memory_space<hbm>>
      tpu.wait_indirect_dma semaphore(%arg11 : memref<!tpu.dma_semaphore, #tpu.memory_space<semaphore_mem>>) src(%dma_wait3A_623 : memref<100000x64xf32, #tpu.memory_space<hbm>>) dst(%dma_wait3A_617 : memref<200x64xf32, #tpu.memory_space<vmem>>)
      %add3A_624 = arith.addi %mul3A_2, %add3A_577 : i32
      %dma_start3A_625 = arith.constant 4 : i32
      %dma_start3A_626 = arith.constant 0 : i32
      %dma_start3A_627 = arith.constant 0 : i32
      %dma_start3A_628 = tpu.memref_slice %arg6[%dma_start3A_625, %dma_start3A_626, %dma_start3A_627] : memref<6x200x64xf32, #tpu.memory_space<vmem>> -> memref<1x200x64xf32, #tpu.memory_space<vmem>>
      %dma_start3A_629 = tpu.memref_squeeze %dma_start3A_628 : memref<1x200x64xf32, #tpu.memory_space<vmem>> -> memref<200x64xf32, #tpu.memory_space<vmem>>
      %dma_start3A_630 = arith.constant 0 : i32
      %dma_start3A_631 = arith.constant 0 : i32
      %dma_start3A_632 = tpu.memref_slice %arg4[%add3A_624, %dma_start3A_630, %dma_start3A_631] : memref<4096x200x64xf32, #tpu.memory_space<hbm>> -> memref<1x200x64xf32, #tpu.memory_space<hbm>>
      %dma_start3A_633 = tpu.memref_squeeze %dma_start3A_632 : memref<1x200x64xf32, #tpu.memory_space<hbm>> -> memref<200x64xf32, #tpu.memory_space<hbm>>
      %dma_start3A_634 = arith.constant 0 : i32
      %dma_start3A_635 = arith.constant 0 : i32
      %dma_start3A_636 = tpu.memref_slice %arg4[%add3A_624, %dma_start3A_634, %dma_start3A_635] : memref<4096x200x64xf32, #tpu.memory_space<hbm>> -> memref<1x200x64xf32, #tpu.memory_space<hbm>>
      %dma_start3A_637 = tpu.memref_squeeze %dma_start3A_636 : memref<1x200x64xf32, #tpu.memory_space<hbm>> -> memref<200x64xf32, #tpu.memory_space<hbm>>
      %dma_start3A_638 = arith.constant 0 : i32
      %dma_start3A_639 = arith.constant 0 : i32
      %dma_start3A_640 = tpu.memref_slice %arg6[%dma_start3A_625, %dma_start3A_638, %dma_start3A_639] : memref<6x200x64xf32, #tpu.memory_space<vmem>> -> memref<1x200x64xf32, #tpu.memory_space<vmem>>
      %dma_start3A_641 = tpu.memref_squeeze %dma_start3A_640 : memref<1x200x64xf32, #tpu.memory_space<vmem>> -> memref<200x64xf32, #tpu.memory_space<vmem>>
      tpu.enqueue_dma source(%dma_start3A_641 : memref<200x64xf32, #tpu.memory_space<vmem>>) target(%dma_start3A_637 : memref<200x64xf32, #tpu.memory_space<hbm>>) target_semaphore(%arg17 : memref<!tpu.dma_semaphore, #tpu.memory_space<semaphore_mem>>)
      %mul3A_642 = arith.constant 6 : i32
      %mul3A_643 = arith.muli %scan3A_502, %mul3A_642 : i32
      %add3A_644 = arith.constant 3 : i32
      %add3A_645 = arith.addi %add3A_644, %mul3A_643 : i32
      %add3A_646 = arith.constant 2 : i32
      %add3A_647 = arith.addi %add3A_645, %add3A_646 : i32
      %add3A_648 = arith.constant 3 : i32
      %add3A_649 = arith.addi %add3A_647, %add3A_648 : i32
      %sub3A_650 = arith.constant 6 : i32
      %sub3A_651 = arith.subi %add3A_649, %sub3A_650 : i32
      %add3A_652 = arith.addi %mul3A_2, %sub3A_651 : i32
      %dma_wait3A_653 = arith.constant 2 : i32
      %dma_wait3A_654 = arith.constant 0 : i32
      %dma_wait3A_655 = arith.constant 0 : i32
      %dma_wait3A_656 = tpu.memref_slice %arg6[%dma_wait3A_653, %dma_wait3A_654, %dma_wait3A_655] : memref<6x200x64xf32, #tpu.memory_space<vmem>> -> memref<1x200x64xf32, #tpu.memory_space<vmem>>
      %dma_wait3A_657 = tpu.memref_squeeze %dma_wait3A_656 : memref<1x200x64xf32, #tpu.memory_space<vmem>> -> memref<200x64xf32, #tpu.memory_space<vmem>>
      %dma_wait3A_658 = arith.constant 0 : i32
      %dma_wait3A_659 = arith.constant 0 : i32
      %dma_wait3A_660 = tpu.memref_slice %arg4[%add3A_652, %dma_wait3A_658, %dma_wait3A_659] : memref<4096x200x64xf32, #tpu.memory_space<hbm>> -> memref<1x200x64xf32, #tpu.memory_space<hbm>>
      %dma_wait3A_661 = tpu.memref_squeeze %dma_wait3A_660 : memref<1x200x64xf32, #tpu.memory_space<hbm>> -> memref<200x64xf32, #tpu.memory_space<hbm>>
      %dma_wait3A_662 = arith.constant 0 : i32
      %dma_wait3A_663 = arith.constant 0 : i32
      %dma_wait3A_664 = tpu.memref_slice %arg4[%add3A_652, %dma_wait3A_662, %dma_wait3A_663] : memref<4096x200x64xf32, #tpu.memory_space<hbm>> -> memref<1x200x64xf32, #tpu.memory_space<hbm>>
      %dma_wait3A_665 = tpu.memref_squeeze %dma_wait3A_664 : memref<1x200x64xf32, #tpu.memory_space<hbm>> -> memref<200x64xf32, #tpu.memory_space<hbm>>
      %dma_wait3A_666 = arith.constant 0 : i32
      %dma_wait3A_667 = arith.constant 0 : i32
      %dma_wait3A_668 = tpu.memref_slice %arg6[%dma_wait3A_653, %dma_wait3A_666, %dma_wait3A_667] : memref<6x200x64xf32, #tpu.memory_space<vmem>> -> memref<1x200x64xf32, #tpu.memory_space<vmem>>
      %dma_wait3A_669 = tpu.memref_squeeze %dma_wait3A_668 : memref<1x200x64xf32, #tpu.memory_space<vmem>> -> memref<200x64xf32, #tpu.memory_space<vmem>>
      tpu.wait_dma2 semaphore(%arg15 : memref<!tpu.dma_semaphore, #tpu.memory_space<semaphore_mem>>) src(%dma_wait3A_669 : memref<200x64xf32, #tpu.memory_space<vmem>>) dst(%dma_wait3A_665 : memref<200x64xf32, #tpu.memory_space<hbm>>)
      %add3A_670 = arith.constant 3 : i32
      %add3A_671 = arith.addi %add3A_647, %add3A_670 : i32
      %dma_start3A_672 = arith.constant 2 : i32
      %dma_start3A_673 = arith.constant 0 : i32
      %dma_start3A_674 = arith.constant 0 : i32
      %dma_start3A_675 = tpu.memref_slice %arg6[%dma_start3A_672, %dma_start3A_673, %dma_start3A_674] : memref<6x200x64xf32, #tpu.memory_space<vmem>> -> memref<1x200x64xf32, #tpu.memory_space<vmem>>
      %dma_start3A_676 = tpu.memref_squeeze %dma_start3A_675 : memref<1x200x64xf32, #tpu.memory_space<vmem>> -> memref<200x64xf32, #tpu.memory_space<vmem>>
      %dma_start3A_677 = arith.constant 0 : i32
      %dma_start3A_678 = tpu.memref_slice %arg5[%add3A_671, %dma_start3A_677] : memref<128x200xi32, #tpu.memory_space<vmem>> -> memref<1x200xi32, #tpu.memory_space<vmem>>
      %dma_start3A_679 = tpu.memref_squeeze %dma_start3A_678 : memref<1x200xi32, #tpu.memory_space<vmem>> -> memref<200xi32, #tpu.memory_space<vmem>>
      %dma_start3A_680 = arith.constant 0 : i32
      %dma_start3A_681 = arith.constant 0 : i32
      %dma_start3A_682 = tpu.memref_slice %arg3[%dma_start3A_680, %dma_start3A_681] : memref<100000x64xf32, #tpu.memory_space<hbm>> -> memref<100000x64xf32, #tpu.memory_space<hbm>>
      tpu.enqueue_indirect_dma source(%dma_start3A_682 : memref<100000x64xf32, #tpu.memory_space<hbm>>) target(%dma_start3A_676 : memref<200x64xf32, #tpu.memory_space<vmem>>) offsets(%dma_start3A_679 : memref<200xi32, #tpu.memory_space<vmem>>) semaphore(%arg9 : memref<!tpu.dma_semaphore, #tpu.memory_space<semaphore_mem>>)
      %dma_wait3A_683 = arith.constant 5 : i32
      %dma_wait3A_684 = arith.constant 0 : i32
      %dma_wait3A_685 = arith.constant 0 : i32
      %dma_wait3A_686 = tpu.memref_slice %arg6[%dma_wait3A_683, %dma_wait3A_684, %dma_wait3A_685] : memref<6x200x64xf32, #tpu.memory_space<vmem>> -> memref<1x200x64xf32, #tpu.memory_space<vmem>>
      %dma_wait3A_687 = tpu.memref_squeeze %dma_wait3A_686 : memref<1x200x64xf32, #tpu.memory_space<vmem>> -> memref<200x64xf32, #tpu.memory_space<vmem>>
      %dma_wait3A_688 = arith.constant 0 : i32
      %dma_wait3A_689 = tpu.memref_slice %arg5[%add3A_647, %dma_wait3A_688] : memref<128x200xi32, #tpu.memory_space<vmem>> -> memref<1x200xi32, #tpu.memory_space<vmem>>
      %dma_wait3A_690 = tpu.memref_squeeze %dma_wait3A_689 : memref<1x200xi32, #tpu.memory_space<vmem>> -> memref<200xi32, #tpu.memory_space<vmem>>
      %dma_wait3A_691 = arith.constant 0 : i32
      %dma_wait3A_692 = arith.constant 0 : i32
      %dma_wait3A_693 = tpu.memref_slice %arg3[%dma_wait3A_691, %dma_wait3A_692] : memref<100000x64xf32, #tpu.memory_space<hbm>> -> memref<100000x64xf32, #tpu.memory_space<hbm>>
      tpu.wait_indirect_dma semaphore(%arg12 : memref<!tpu.dma_semaphore, #tpu.memory_space<semaphore_mem>>) src(%dma_wait3A_693 : memref<100000x64xf32, #tpu.memory_space<hbm>>) dst(%dma_wait3A_687 : memref<200x64xf32, #tpu.memory_space<vmem>>)
      %add3A_694 = arith.addi %mul3A_2, %add3A_647 : i32
      %dma_start3A_695 = arith.constant 5 : i32
      %dma_start3A_696 = arith.constant 0 : i32
      %dma_start3A_697 = arith.constant 0 : i32
      %dma_start3A_698 = tpu.memref_slice %arg6[%dma_start3A_695, %dma_start3A_696, %dma_start3A_697] : memref<6x200x64xf32, #tpu.memory_space<vmem>> -> memref<1x200x64xf32, #tpu.memory_space<vmem>>
      %dma_start3A_699 = tpu.memref_squeeze %dma_start3A_698 : memref<1x200x64xf32, #tpu.memory_space<vmem>> -> memref<200x64xf32, #tpu.memory_space<vmem>>
      %dma_start3A_700 = arith.constant 0 : i32
      %dma_start3A_701 = arith.constant 0 : i32
      %dma_start3A_702 = tpu.memref_slice %arg4[%add3A_694, %dma_start3A_700, %dma_start3A_701] : memref<4096x200x64xf32, #tpu.memory_space<hbm>> -> memref<1x200x64xf32, #tpu.memory_space<hbm>>
      %dma_start3A_703 = tpu.memref_squeeze %dma_start3A_702 : memref<1x200x64xf32, #tpu.memory_space<hbm>> -> memref<200x64xf32, #tpu.memory_space<hbm>>
      %dma_start3A_704 = arith.constant 0 : i32
      %dma_start3A_705 = arith.constant 0 : i32
      %dma_start3A_706 = tpu.memref_slice %arg4[%add3A_694, %dma_start3A_704, %dma_start3A_705] : memref<4096x200x64xf32, #tpu.memory_space<hbm>> -> memref<1x200x64xf32, #tpu.memory_space<hbm>>
      %dma_start3A_707 = tpu.memref_squeeze %dma_start3A_706 : memref<1x200x64xf32, #tpu.memory_space<hbm>> -> memref<200x64xf32, #tpu.memory_space<hbm>>
      %dma_start3A_708 = arith.constant 0 : i32
      %dma_start3A_709 = arith.constant 0 : i32
      %dma_start3A_710 = tpu.memref_slice %arg6[%dma_start3A_695, %dma_start3A_708, %dma_start3A_709] : memref<6x200x64xf32, #tpu.memory_space<vmem>> -> memref<1x200x64xf32, #tpu.memory_space<vmem>>
      %dma_start3A_711 = tpu.memref_squeeze %dma_start3A_710 : memref<1x200x64xf32, #tpu.memory_space<vmem>> -> memref<200x64xf32, #tpu.memory_space<vmem>>
      tpu.enqueue_dma source(%dma_start3A_711 : memref<200x64xf32, #tpu.memory_space<vmem>>) target(%dma_start3A_707 : memref<200x64xf32, #tpu.memory_space<hbm>>) target_semaphore(%arg18 : memref<!tpu.dma_semaphore, #tpu.memory_space<semaphore_mem>>)
      %mul3A_712 = arith.constant 6 : i32
      %mul3A_713 = arith.muli %scan3A_502, %mul3A_712 : i32
      %add3A_714 = arith.constant 3 : i32
      %add3A_715 = arith.addi %add3A_714, %mul3A_713 : i32
      %add3A_716 = arith.constant 3 : i32
      %add3A_717 = arith.addi %add3A_715, %add3A_716 : i32
      %add3A_718 = arith.constant 3 : i32
      %add3A_719 = arith.addi %add3A_717, %add3A_718 : i32
      %sub3A_720 = arith.constant 6 : i32
      %sub3A_721 = arith.subi %add3A_719, %sub3A_720 : i32
      %add3A_722 = arith.addi %mul3A_2, %sub3A_721 : i32
      %dma_wait3A_723 = arith.constant 3 : i32
      %dma_wait3A_724 = arith.constant 0 : i32
      %dma_wait3A_725 = arith.constant 0 : i32
      %dma_wait3A_726 = tpu.memref_slice %arg6[%dma_wait3A_723, %dma_wait3A_724, %dma_wait3A_725] : memref<6x200x64xf32, #tpu.memory_space<vmem>> -> memref<1x200x64xf32, #tpu.memory_space<vmem>>
      %dma_wait3A_727 = tpu.memref_squeeze %dma_wait3A_726 : memref<1x200x64xf32, #tpu.memory_space<vmem>> -> memref<200x64xf32, #tpu.memory_space<vmem>>
      %dma_wait3A_728 = arith.constant 0 : i32
      %dma_wait3A_729 = arith.constant 0 : i32
      %dma_wait3A_730 = tpu.memref_slice %arg4[%add3A_722, %dma_wait3A_728, %dma_wait3A_729] : memref<4096x200x64xf32, #tpu.memory_space<hbm>> -> memref<1x200x64xf32, #tpu.memory_space<hbm>>
      %dma_wait3A_731 = tpu.memref_squeeze %dma_wait3A_730 : memref<1x200x64xf32, #tpu.memory_space<hbm>> -> memref<200x64xf32, #tpu.memory_space<hbm>>
      %dma_wait3A_732 = arith.constant 0 : i32
      %dma_wait3A_733 = arith.constant 0 : i32
      %dma_wait3A_734 = tpu.memref_slice %arg4[%add3A_722, %dma_wait3A_732, %dma_wait3A_733] : memref<4096x200x64xf32, #tpu.memory_space<hbm>> -> memref<1x200x64xf32, #tpu.memory_space<hbm>>
      %dma_wait3A_735 = tpu.memref_squeeze %dma_wait3A_734 : memref<1x200x64xf32, #tpu.memory_space<hbm>> -> memref<200x64xf32, #tpu.memory_space<hbm>>
      %dma_wait3A_736 = arith.constant 0 : i32
      %dma_wait3A_737 = arith.constant 0 : i32
      %dma_wait3A_738 = tpu.memref_slice %arg6[%dma_wait3A_723, %dma_wait3A_736, %dma_wait3A_737] : memref<6x200x64xf32, #tpu.memory_space<vmem>> -> memref<1x200x64xf32, #tpu.memory_space<vmem>>
      %dma_wait3A_739 = tpu.memref_squeeze %dma_wait3A_738 : memref<1x200x64xf32, #tpu.memory_space<vmem>> -> memref<200x64xf32, #tpu.memory_space<vmem>>
      tpu.wait_dma2 semaphore(%arg16 : memref<!tpu.dma_semaphore, #tpu.memory_space<semaphore_mem>>) src(%dma_wait3A_739 : memref<200x64xf32, #tpu.memory_space<vmem>>) dst(%dma_wait3A_735 : memref<200x64xf32, #tpu.memory_space<hbm>>)
      %add3A_740 = arith.constant 3 : i32
      %add3A_741 = arith.addi %add3A_717, %add3A_740 : i32
      %dma_start3A_742 = arith.constant 3 : i32
      %dma_start3A_743 = arith.constant 0 : i32
      %dma_start3A_744 = arith.constant 0 : i32
      %dma_start3A_745 = tpu.memref_slice %arg6[%dma_start3A_742, %dma_start3A_743, %dma_start3A_744] : memref<6x200x64xf32, #tpu.memory_space<vmem>> -> memref<1x200x64xf32, #tpu.memory_space<vmem>>
      %dma_start3A_746 = tpu.memref_squeeze %dma_start3A_745 : memref<1x200x64xf32, #tpu.memory_space<vmem>> -> memref<200x64xf32, #tpu.memory_space<vmem>>
      %dma_start3A_747 = arith.constant 0 : i32
      %dma_start3A_748 = tpu.memref_slice %arg5[%add3A_741, %dma_start3A_747] : memref<128x200xi32, #tpu.memory_space<vmem>> -> memref<1x200xi32, #tpu.memory_space<vmem>>
      %dma_start3A_749 = tpu.memref_squeeze %dma_start3A_748 : memref<1x200xi32, #tpu.memory_space<vmem>> -> memref<200xi32, #tpu.memory_space<vmem>>
      %dma_start3A_750 = arith.constant 0 : i32
      %dma_start3A_751 = arith.constant 0 : i32
      %dma_start3A_752 = tpu.memref_slice %arg3[%dma_start3A_750, %dma_start3A_751] : memref<100000x64xf32, #tpu.memory_space<hbm>> -> memref<100000x64xf32, #tpu.memory_space<hbm>>
      tpu.enqueue_indirect_dma source(%dma_start3A_752 : memref<100000x64xf32, #tpu.memory_space<hbm>>) target(%dma_start3A_746 : memref<200x64xf32, #tpu.memory_space<vmem>>) offsets(%dma_start3A_749 : memref<200xi32, #tpu.memory_space<vmem>>) semaphore(%arg10 : memref<!tpu.dma_semaphore, #tpu.memory_space<semaphore_mem>>)
      %dma_wait3A_753 = arith.constant 0 : i32
      %dma_wait3A_754 = arith.constant 0 : i32
      %dma_wait3A_755 = arith.constant 0 : i32
      %dma_wait3A_756 = tpu.memref_slice %arg6[%dma_wait3A_753, %dma_wait3A_754, %dma_wait3A_755] : memref<6x200x64xf32, #tpu.memory_space<vmem>> -> memref<1x200x64xf32, #tpu.memory_space<vmem>>
      %dma_wait3A_757 = tpu.memref_squeeze %dma_wait3A_756 : memref<1x200x64xf32, #tpu.memory_space<vmem>> -> memref<200x64xf32, #tpu.memory_space<vmem>>
      %dma_wait3A_758 = arith.constant 0 : i32
      %dma_wait3A_759 = tpu.memref_slice %arg5[%add3A_717, %dma_wait3A_758] : memref<128x200xi32, #tpu.memory_space<vmem>> -> memref<1x200xi32, #tpu.memory_space<vmem>>
      %dma_wait3A_760 = tpu.memref_squeeze %dma_wait3A_759 : memref<1x200xi32, #tpu.memory_space<vmem>> -> memref<200xi32, #tpu.memory_space<vmem>>
      %dma_wait3A_761 = arith.constant 0 : i32
      %dma_wait3A_762 = arith.constant 0 : i32
      %dma_wait3A_763 = tpu.memref_slice %arg3[%dma_wait3A_761, %dma_wait3A_762] : memref<100000x64xf32, #tpu.memory_space<hbm>> -> memref<100000x64xf32, #tpu.memory_space<hbm>>
      tpu.wait_indirect_dma semaphore(%arg7 : memref<!tpu.dma_semaphore, #tpu.memory_space<semaphore_mem>>) src(%dma_wait3A_763 : memref<100000x64xf32, #tpu.memory_space<hbm>>) dst(%dma_wait3A_757 : memref<200x64xf32, #tpu.memory_space<vmem>>)
      %add3A_764 = arith.addi %mul3A_2, %add3A_717 : i32
      %dma_start3A_765 = arith.constant 0 : i32
      %dma_start3A_766 = arith.constant 0 : i32
      %dma_start3A_767 = arith.constant 0 : i32
      %dma_start3A_768 = tpu.memref_slice %arg6[%dma_start3A_765, %dma_start3A_766, %dma_start3A_767] : memref<6x200x64xf32, #tpu.memory_space<vmem>> -> memref<1x200x64xf32, #tpu.memory_space<vmem>>
      %dma_start3A_769 = tpu.memref_squeeze %dma_start3A_768 : memref<1x200x64xf32, #tpu.memory_space<vmem>> -> memref<200x64xf32, #tpu.memory_space<vmem>>
      %dma_start3A_770 = arith.constant 0 : i32
      %dma_start3A_771 = arith.constant 0 : i32
      %dma_start3A_772 = tpu.memref_slice %arg4[%add3A_764, %dma_start3A_770, %dma_start3A_771] : memref<4096x200x64xf32, #tpu.memory_space<hbm>> -> memref<1x200x64xf32, #tpu.memory_space<hbm>>
      %dma_start3A_773 = tpu.memref_squeeze %dma_start3A_772 : memref<1x200x64xf32, #tpu.memory_space<hbm>> -> memref<200x64xf32, #tpu.memory_space<hbm>>
      %dma_start3A_774 = arith.constant 0 : i32
      %dma_start3A_775 = arith.constant 0 : i32
      %dma_start3A_776 = tpu.memref_slice %arg4[%add3A_764, %dma_start3A_774, %dma_start3A_775] : memref<4096x200x64xf32, #tpu.memory_space<hbm>> -> memref<1x200x64xf32, #tpu.memory_space<hbm>>
      %dma_start3A_777 = tpu.memref_squeeze %dma_start3A_776 : memref<1x200x64xf32, #tpu.memory_space<hbm>> -> memref<200x64xf32, #tpu.memory_space<hbm>>
      %dma_start3A_778 = arith.constant 0 : i32
      %dma_start3A_779 = arith.constant 0 : i32
      %dma_start3A_780 = tpu.memref_slice %arg6[%dma_start3A_765, %dma_start3A_778, %dma_start3A_779] : memref<6x200x64xf32, #tpu.memory_space<vmem>> -> memref<1x200x64xf32, #tpu.memory_space<vmem>>
      %dma_start3A_781 = tpu.memref_squeeze %dma_start3A_780 : memref<1x200x64xf32, #tpu.memory_space<vmem>> -> memref<200x64xf32, #tpu.memory_space<vmem>>
      tpu.enqueue_dma source(%dma_start3A_781 : memref<200x64xf32, #tpu.memory_space<vmem>>) target(%dma_start3A_777 : memref<200x64xf32, #tpu.memory_space<hbm>>) target_semaphore(%arg13 : memref<!tpu.dma_semaphore, #tpu.memory_space<semaphore_mem>>)
      %mul3A_782 = arith.constant 6 : i32
      %mul3A_783 = arith.muli %scan3A_502, %mul3A_782 : i32
      %add3A_784 = arith.constant 3 : i32
      %add3A_785 = arith.addi %add3A_784, %mul3A_783 : i32
      %add3A_786 = arith.constant 4 : i32
      %add3A_787 = arith.addi %add3A_785, %add3A_786 : i32
      %add3A_788 = arith.constant 3 : i32
      %add3A_789 = arith.addi %add3A_787, %add3A_788 : i32
      %sub3A_790 = arith.constant 6 : i32
      %sub3A_791 = arith.subi %add3A_789, %sub3A_790 : i32
      %add3A_792 = arith.addi %mul3A_2, %sub3A_791 : i32
      %dma_wait3A_793 = arith.constant 4 : i32
      %dma_wait3A_794 = arith.constant 0 : i32
      %dma_wait3A_795 = arith.constant 0 : i32
      %dma_wait3A_796 = tpu.memref_slice %arg6[%dma_wait3A_793, %dma_wait3A_794, %dma_wait3A_795] : memref<6x200x64xf32, #tpu.memory_space<vmem>> -> memref<1x200x64xf32, #tpu.memory_space<vmem>>
      %dma_wait3A_797 = tpu.memref_squeeze %dma_wait3A_796 : memref<1x200x64xf32, #tpu.memory_space<vmem>> -> memref<200x64xf32, #tpu.memory_space<vmem>>
      %dma_wait3A_798 = arith.constant 0 : i32
      %dma_wait3A_799 = arith.constant 0 : i32
      %dma_wait3A_800 = tpu.memref_slice %arg4[%add3A_792, %dma_wait3A_798, %dma_wait3A_799] : memref<4096x200x64xf32, #tpu.memory_space<hbm>> -> memref<1x200x64xf32, #tpu.memory_space<hbm>>
      %dma_wait3A_801 = tpu.memref_squeeze %dma_wait3A_800 : memref<1x200x64xf32, #tpu.memory_space<hbm>> -> memref<200x64xf32, #tpu.memory_space<hbm>>
      %dma_wait3A_802 = arith.constant 0 : i32
      %dma_wait3A_803 = arith.constant 0 : i32
      %dma_wait3A_804 = tpu.memref_slice %arg4[%add3A_792, %dma_wait3A_802, %dma_wait3A_803] : memref<4096x200x64xf32, #tpu.memory_space<hbm>> -> memref<1x200x64xf32, #tpu.memory_space<hbm>>
      %dma_wait3A_805 = tpu.memref_squeeze %dma_wait3A_804 : memref<1x200x64xf32, #tpu.memory_space<hbm>> -> memref<200x64xf32, #tpu.memory_space<hbm>>
      %dma_wait3A_806 = arith.constant 0 : i32
      %dma_wait3A_807 = arith.constant 0 : i32
      %dma_wait3A_808 = tpu.memref_slice %arg6[%dma_wait3A_793, %dma_wait3A_806, %dma_wait3A_807] : memref<6x200x64xf32, #tpu.memory_space<vmem>> -> memref<1x200x64xf32, #tpu.memory_space<vmem>>
      %dma_wait3A_809 = tpu.memref_squeeze %dma_wait3A_808 : memref<1x200x64xf32, #tpu.memory_space<vmem>> -> memref<200x64xf32, #tpu.memory_space<vmem>>
      tpu.wait_dma2 semaphore(%arg17 : memref<!tpu.dma_semaphore, #tpu.memory_space<semaphore_mem>>) src(%dma_wait3A_809 : memref<200x64xf32, #tpu.memory_space<vmem>>) dst(%dma_wait3A_805 : memref<200x64xf32, #tpu.memory_space<hbm>>)
      %add3A_810 = arith.constant 3 : i32
      %add3A_811 = arith.addi %add3A_787, %add3A_810 : i32
      %dma_start3A_812 = arith.constant 4 : i32
      %dma_start3A_813 = arith.constant 0 : i32
      %dma_start3A_814 = arith.constant 0 : i32
      %dma_start3A_815 = tpu.memref_slice %arg6[%dma_start3A_812, %dma_start3A_813, %dma_start3A_814] : memref<6x200x64xf32, #tpu.memory_space<vmem>> -> memref<1x200x64xf32, #tpu.memory_space<vmem>>
      %dma_start3A_816 = tpu.memref_squeeze %dma_start3A_815 : memref<1x200x64xf32, #tpu.memory_space<vmem>> -> memref<200x64xf32, #tpu.memory_space<vmem>>
      %dma_start3A_817 = arith.constant 0 : i32
      %dma_start3A_818 = tpu.memref_slice %arg5[%add3A_811, %dma_start3A_817] : memref<128x200xi32, #tpu.memory_space<vmem>> -> memref<1x200xi32, #tpu.memory_space<vmem>>
      %dma_start3A_819 = tpu.memref_squeeze %dma_start3A_818 : memref<1x200xi32, #tpu.memory_space<vmem>> -> memref<200xi32, #tpu.memory_space<vmem>>
      %dma_start3A_820 = arith.constant 0 : i32
      %dma_start3A_821 = arith.constant 0 : i32
      %dma_start3A_822 = tpu.memref_slice %arg3[%dma_start3A_820, %dma_start3A_821] : memref<100000x64xf32, #tpu.memory_space<hbm>> -> memref<100000x64xf32, #tpu.memory_space<hbm>>
      tpu.enqueue_indirect_dma source(%dma_start3A_822 : memref<100000x64xf32, #tpu.memory_space<hbm>>) target(%dma_start3A_816 : memref<200x64xf32, #tpu.memory_space<vmem>>) offsets(%dma_start3A_819 : memref<200xi32, #tpu.memory_space<vmem>>) semaphore(%arg11 : memref<!tpu.dma_semaphore, #tpu.memory_space<semaphore_mem>>)
      %dma_wait3A_823 = arith.constant 1 : i32
      %dma_wait3A_824 = arith.constant 0 : i32
      %dma_wait3A_825 = arith.constant 0 : i32
      %dma_wait3A_826 = tpu.memref_slice %arg6[%dma_wait3A_823, %dma_wait3A_824, %dma_wait3A_825] : memref<6x200x64xf32, #tpu.memory_space<vmem>> -> memref<1x200x64xf32, #tpu.memory_space<vmem>>
      %dma_wait3A_827 = tpu.memref_squeeze %dma_wait3A_826 : memref<1x200x64xf32, #tpu.memory_space<vmem>> -> memref<200x64xf32, #tpu.memory_space<vmem>>
      %dma_wait3A_828 = arith.constant 0 : i32
      %dma_wait3A_829 = tpu.memref_slice %arg5[%add3A_787, %dma_wait3A_828] : memref<128x200xi32, #tpu.memory_space<vmem>> -> memref<1x200xi32, #tpu.memory_space<vmem>>
      %dma_wait3A_830 = tpu.memref_squeeze %dma_wait3A_829 : memref<1x200xi32, #tpu.memory_space<vmem>> -> memref<200xi32, #tpu.memory_space<vmem>>
      %dma_wait3A_831 = arith.constant 0 : i32
      %dma_wait3A_832 = arith.constant 0 : i32
      %dma_wait3A_833 = tpu.memref_slice %arg3[%dma_wait3A_831, %dma_wait3A_832] : memref<100000x64xf32, #tpu.memory_space<hbm>> -> memref<100000x64xf32, #tpu.memory_space<hbm>>
      tpu.wait_indirect_dma semaphore(%arg8 : memref<!tpu.dma_semaphore, #tpu.memory_space<semaphore_mem>>) src(%dma_wait3A_833 : memref<100000x64xf32, #tpu.memory_space<hbm>>) dst(%dma_wait3A_827 : memref<200x64xf32, #tpu.memory_space<vmem>>)
      %add3A_834 = arith.addi %mul3A_2, %add3A_787 : i32
      %dma_start3A_835 = arith.constant 1 : i32
      %dma_start3A_836 = arith.constant 0 : i32
      %dma_start3A_837 = arith.constant 0 : i32
      %dma_start3A_838 = tpu.memref_slice %arg6[%dma_start3A_835, %dma_start3A_836, %dma_start3A_837] : memref<6x200x64xf32, #tpu.memory_space<vmem>> -> memref<1x200x64xf32, #tpu.memory_space<vmem>>
      %dma_start3A_839 = tpu.memref_squeeze %dma_start3A_838 : memref<1x200x64xf32, #tpu.memory_space<vmem>> -> memref<200x64xf32, #tpu.memory_space<vmem>>
      %dma_start3A_840 = arith.constant 0 : i32
      %dma_start3A_841 = arith.constant 0 : i32
      %dma_start3A_842 = tpu.memref_slice %arg4[%add3A_834, %dma_start3A_840, %dma_start3A_841] : memref<4096x200x64xf32, #tpu.memory_space<hbm>> -> memref<1x200x64xf32, #tpu.memory_space<hbm>>
      %dma_start3A_843 = tpu.memref_squeeze %dma_start3A_842 : memref<1x200x64xf32, #tpu.memory_space<hbm>> -> memref<200x64xf32, #tpu.memory_space<hbm>>
      %dma_start3A_844 = arith.constant 0 : i32
      %dma_start3A_845 = arith.constant 0 : i32
      %dma_start3A_846 = tpu.memref_slice %arg4[%add3A_834, %dma_start3A_844, %dma_start3A_845] : memref<4096x200x64xf32, #tpu.memory_space<hbm>> -> memref<1x200x64xf32, #tpu.memory_space<hbm>>
      %dma_start3A_847 = tpu.memref_squeeze %dma_start3A_846 : memref<1x200x64xf32, #tpu.memory_space<hbm>> -> memref<200x64xf32, #tpu.memory_space<hbm>>
      %dma_start3A_848 = arith.constant 0 : i32
      %dma_start3A_849 = arith.constant 0 : i32
      %dma_start3A_850 = tpu.memref_slice %arg6[%dma_start3A_835, %dma_start3A_848, %dma_start3A_849] : memref<6x200x64xf32, #tpu.memory_space<vmem>> -> memref<1x200x64xf32, #tpu.memory_space<vmem>>
      %dma_start3A_851 = tpu.memref_squeeze %dma_start3A_850 : memref<1x200x64xf32, #tpu.memory_space<vmem>> -> memref<200x64xf32, #tpu.memory_space<vmem>>
      tpu.enqueue_dma source(%dma_start3A_851 : memref<200x64xf32, #tpu.memory_space<vmem>>) target(%dma_start3A_847 : memref<200x64xf32, #tpu.memory_space<hbm>>) target_semaphore(%arg14 : memref<!tpu.dma_semaphore, #tpu.memory_space<semaphore_mem>>)
      %mul3A_852 = arith.constant 6 : i32
      %mul3A_853 = arith.muli %scan3A_502, %mul3A_852 : i32
      %add3A_854 = arith.constant 3 : i32
      %add3A_855 = arith.addi %add3A_854, %mul3A_853 : i32
      %add3A_856 = arith.constant 5 : i32
      %add3A_857 = arith.addi %add3A_855, %add3A_856 : i32
      %add3A_858 = arith.constant 3 : i32
      %add3A_859 = arith.addi %add3A_857, %add3A_858 : i32
      %sub3A_860 = arith.constant 6 : i32
      %sub3A_861 = arith.subi %add3A_859, %sub3A_860 : i32
      %add3A_862 = arith.addi %mul3A_2, %sub3A_861 : i32
      %dma_wait3A_863 = arith.constant 5 : i32
      %dma_wait3A_864 = arith.constant 0 : i32
      %dma_wait3A_865 = arith.constant 0 : i32
      %dma_wait3A_866 = tpu.memref_slice %arg6[%dma_wait3A_863, %dma_wait3A_864, %dma_wait3A_865] : memref<6x200x64xf32, #tpu.memory_space<vmem>> -> memref<1x200x64xf32, #tpu.memory_space<vmem>>
      %dma_wait3A_867 = tpu.memref_squeeze %dma_wait3A_866 : memref<1x200x64xf32, #tpu.memory_space<vmem>> -> memref<200x64xf32, #tpu.memory_space<vmem>>
      %dma_wait3A_868 = arith.constant 0 : i32
      %dma_wait3A_869 = arith.constant 0 : i32
      %dma_wait3A_870 = tpu.memref_slice %arg4[%add3A_862, %dma_wait3A_868, %dma_wait3A_869] : memref<4096x200x64xf32, #tpu.memory_space<hbm>> -> memref<1x200x64xf32, #tpu.memory_space<hbm>>
      %dma_wait3A_871 = tpu.memref_squeeze %dma_wait3A_870 : memref<1x200x64xf32, #tpu.memory_space<hbm>> -> memref<200x64xf32, #tpu.memory_space<hbm>>
      %dma_wait3A_872 = arith.constant 0 : i32
      %dma_wait3A_873 = arith.constant 0 : i32
      %dma_wait3A_874 = tpu.memref_slice %arg4[%add3A_862, %dma_wait3A_872, %dma_wait3A_873] : memref<4096x200x64xf32, #tpu.memory_space<hbm>> -> memref<1x200x64xf32, #tpu.memory_space<hbm>>
      %dma_wait3A_875 = tpu.memref_squeeze %dma_wait3A_874 : memref<1x200x64xf32, #tpu.memory_space<hbm>> -> memref<200x64xf32, #tpu.memory_space<hbm>>
      %dma_wait3A_876 = arith.constant 0 : i32
      %dma_wait3A_877 = arith.constant 0 : i32
      %dma_wait3A_878 = tpu.memref_slice %arg6[%dma_wait3A_863, %dma_wait3A_876, %dma_wait3A_877] : memref<6x200x64xf32, #tpu.memory_space<vmem>> -> memref<1x200x64xf32, #tpu.memory_space<vmem>>
      %dma_wait3A_879 = tpu.memref_squeeze %dma_wait3A_878 : memref<1x200x64xf32, #tpu.memory_space<vmem>> -> memref<200x64xf32, #tpu.memory_space<vmem>>
      tpu.wait_dma2 semaphore(%arg18 : memref<!tpu.dma_semaphore, #tpu.memory_space<semaphore_mem>>) src(%dma_wait3A_879 : memref<200x64xf32, #tpu.memory_space<vmem>>) dst(%dma_wait3A_875 : memref<200x64xf32, #tpu.memory_space<hbm>>)
      %add3A_880 = arith.constant 3 : i32
      %add3A_881 = arith.addi %add3A_857, %add3A_880 : i32
      %dma_start3A_882 = arith.constant 5 : i32
      %dma_start3A_883 = arith.constant 0 : i32
      %dma_start3A_884 = arith.constant 0 : i32
      %dma_start3A_885 = tpu.memref_slice %arg6[%dma_start3A_882, %dma_start3A_883, %dma_start3A_884] : memref<6x200x64xf32, #tpu.memory_space<vmem>> -> memref<1x200x64xf32, #tpu.memory_space<vmem>>
      %dma_start3A_886 = tpu.memref_squeeze %dma_start3A_885 : memref<1x200x64xf32, #tpu.memory_space<vmem>> -> memref<200x64xf32, #tpu.memory_space<vmem>>
      %dma_start3A_887 = arith.constant 0 : i32
      %dma_start3A_888 = tpu.memref_slice %arg5[%add3A_881, %dma_start3A_887] : memref<128x200xi32, #tpu.memory_space<vmem>> -> memref<1x200xi32, #tpu.memory_space<vmem>>
      %dma_start3A_889 = tpu.memref_squeeze %dma_start3A_888 : memref<1x200xi32, #tpu.memory_space<vmem>> -> memref<200xi32, #tpu.memory_space<vmem>>
      %dma_start3A_890 = arith.constant 0 : i32
      %dma_start3A_891 = arith.constant 0 : i32
      %dma_start3A_892 = tpu.memref_slice %arg3[%dma_start3A_890, %dma_start3A_891] : memref<100000x64xf32, #tpu.memory_space<hbm>> -> memref<100000x64xf32, #tpu.memory_space<hbm>>
      tpu.enqueue_indirect_dma source(%dma_start3A_892 : memref<100000x64xf32, #tpu.memory_space<hbm>>) target(%dma_start3A_886 : memref<200x64xf32, #tpu.memory_space<vmem>>) offsets(%dma_start3A_889 : memref<200xi32, #tpu.memory_space<vmem>>) semaphore(%arg12 : memref<!tpu.dma_semaphore, #tpu.memory_space<semaphore_mem>>)
      %dma_wait3A_893 = arith.constant 2 : i32
      %dma_wait3A_894 = arith.constant 0 : i32
      %dma_wait3A_895 = arith.constant 0 : i32
      %dma_wait3A_896 = tpu.memref_slice %arg6[%dma_wait3A_893, %dma_wait3A_894, %dma_wait3A_895] : memref<6x200x64xf32, #tpu.memory_space<vmem>> -> memref<1x200x64xf32, #tpu.memory_space<vmem>>
      %dma_wait3A_897 = tpu.memref_squeeze %dma_wait3A_896 : memref<1x200x64xf32, #tpu.memory_space<vmem>> -> memref<200x64xf32, #tpu.memory_space<vmem>>
      %dma_wait3A_898 = arith.constant 0 : i32
      %dma_wait3A_899 = tpu.memref_slice %arg5[%add3A_857, %dma_wait3A_898] : memref<128x200xi32, #tpu.memory_space<vmem>> -> memref<1x200xi32, #tpu.memory_space<vmem>>
      %dma_wait3A_900 = tpu.memref_squeeze %dma_wait3A_899 : memref<1x200xi32, #tpu.memory_space<vmem>> -> memref<200xi32, #tpu.memory_space<vmem>>
      %dma_wait3A_901 = arith.constant 0 : i32
      %dma_wait3A_902 = arith.constant 0 : i32
      %dma_wait3A_903 = tpu.memref_slice %arg3[%dma_wait3A_901, %dma_wait3A_902] : memref<100000x64xf32, #tpu.memory_space<hbm>> -> memref<100000x64xf32, #tpu.memory_space<hbm>>
      tpu.wait_indirect_dma semaphore(%arg9 : memref<!tpu.dma_semaphore, #tpu.memory_space<semaphore_mem>>) src(%dma_wait3A_903 : memref<100000x64xf32, #tpu.memory_space<hbm>>) dst(%dma_wait3A_897 : memref<200x64xf32, #tpu.memory_space<vmem>>)
      %add3A_904 = arith.addi %mul3A_2, %add3A_857 : i32
      %dma_start3A_905 = arith.constant 2 : i32
      %dma_start3A_906 = arith.constant 0 : i32
      %dma_start3A_907 = arith.constant 0 : i32
      %dma_start3A_908 = tpu.memref_slice %arg6[%dma_start3A_905, %dma_start3A_906, %dma_start3A_907] : memref<6x200x64xf32, #tpu.memory_space<vmem>> -> memref<1x200x64xf32, #tpu.memory_space<vmem>>
      %dma_start3A_909 = tpu.memref_squeeze %dma_start3A_908 : memref<1x200x64xf32, #tpu.memory_space<vmem>> -> memref<200x64xf32, #tpu.memory_space<vmem>>
      %dma_start3A_910 = arith.constant 0 : i32
      %dma_start3A_911 = arith.constant 0 : i32
      %dma_start3A_912 = tpu.memref_slice %arg4[%add3A_904, %dma_start3A_910, %dma_start3A_911] : memref<4096x200x64xf32, #tpu.memory_space<hbm>> -> memref<1x200x64xf32, #tpu.memory_space<hbm>>
      %dma_start3A_913 = tpu.memref_squeeze %dma_start3A_912 : memref<1x200x64xf32, #tpu.memory_space<hbm>> -> memref<200x64xf32, #tpu.memory_space<hbm>>
      %dma_start3A_914 = arith.constant 0 : i32
      %dma_start3A_915 = arith.constant 0 : i32
      %dma_start3A_916 = tpu.memref_slice %arg4[%add3A_904, %dma_start3A_914, %dma_start3A_915] : memref<4096x200x64xf32, #tpu.memory_space<hbm>> -> memref<1x200x64xf32, #tpu.memory_space<hbm>>
      %dma_start3A_917 = tpu.memref_squeeze %dma_start3A_916 : memref<1x200x64xf32, #tpu.memory_space<hbm>> -> memref<200x64xf32, #tpu.memory_space<hbm>>
      %dma_start3A_918 = arith.constant 0 : i32
      %dma_start3A_919 = arith.constant 0 : i32
      %dma_start3A_920 = tpu.memref_slice %arg6[%dma_start3A_905, %dma_start3A_918, %dma_start3A_919] : memref<6x200x64xf32, #tpu.memory_space<vmem>> -> memref<1x200x64xf32, #tpu.memory_space<vmem>>
      %dma_start3A_921 = tpu.memref_squeeze %dma_start3A_920 : memref<1x200x64xf32, #tpu.memory_space<vmem>> -> memref<200x64xf32, #tpu.memory_space<vmem>>
      tpu.enqueue_dma source(%dma_start3A_921 : memref<200x64xf32, #tpu.memory_space<vmem>>) target(%dma_start3A_917 : memref<200x64xf32, #tpu.memory_space<hbm>>) target_semaphore(%arg15 : memref<!tpu.dma_semaphore, #tpu.memory_space<semaphore_mem>>)
    }
    %scan3A_170 = arith.constant 20 : i32
    %add3A_171 = arith.constant 120 : i32
    %add3A_172 = arith.addi %mul3A_2, %add3A_171 : i32
    %dma_wait3A_173 = arith.constant 0 : i32
    %dma_wait3A_174 = arith.constant 0 : i32
    %dma_wait3A_175 = arith.constant 0 : i32
    %dma_wait3A_176 = tpu.memref_slice %arg6[%dma_wait3A_173, %dma_wait3A_174, %dma_wait3A_175] : memref<6x200x64xf32, #tpu.memory_space<vmem>> -> memref<1x200x64xf32, #tpu.memory_space<vmem>>
    %dma_wait3A_177 = tpu.memref_squeeze %dma_wait3A_176 : memref<1x200x64xf32, #tpu.memory_space<vmem>> -> memref<200x64xf32, #tpu.memory_space<vmem>>
    %dma_wait3A_178 = arith.constant 0 : i32
    %dma_wait3A_179 = arith.constant 0 : i32
    %dma_wait3A_180 = tpu.memref_slice %arg4[%add3A_172, %dma_wait3A_178, %dma_wait3A_179] : memref<4096x200x64xf32, #tpu.memory_space<hbm>> -> memref<1x200x64xf32, #tpu.memory_space<hbm>>
    %dma_wait3A_181 = tpu.memref_squeeze %dma_wait3A_180 : memref<1x200x64xf32, #tpu.memory_space<hbm>> -> memref<200x64xf32, #tpu.memory_space<hbm>>
    %dma_wait3A_182 = arith.constant 0 : i32
    %dma_wait3A_183 = arith.constant 0 : i32
    %dma_wait3A_184 = tpu.memref_slice %arg4[%add3A_172, %dma_wait3A_182, %dma_wait3A_183] : memref<4096x200x64xf32, #tpu.memory_space<hbm>> -> memref<1x200x64xf32, #tpu.memory_space<hbm>>
    %dma_wait3A_185 = tpu.memref_squeeze %dma_wait3A_184 : memref<1x200x64xf32, #tpu.memory_space<hbm>> -> memref<200x64xf32, #tpu.memory_space<hbm>>
    %dma_wait3A_186 = arith.constant 0 : i32
    %dma_wait3A_187 = arith.constant 0 : i32
    %dma_wait3A_188 = tpu.memref_slice %arg6[%dma_wait3A_173, %dma_wait3A_186, %dma_wait3A_187] : memref<6x200x64xf32, #tpu.memory_space<vmem>> -> memref<1x200x64xf32, #tpu.memory_space<vmem>>
    %dma_wait3A_189 = tpu.memref_squeeze %dma_wait3A_188 : memref<1x200x64xf32, #tpu.memory_space<vmem>> -> memref<200x64xf32, #tpu.memory_space<vmem>>
    tpu.wait_dma2 semaphore(%arg13 : memref<!tpu.dma_semaphore, #tpu.memory_space<semaphore_mem>>) src(%dma_wait3A_189 : memref<200x64xf32, #tpu.memory_space<vmem>>) dst(%dma_wait3A_185 : memref<200x64xf32, #tpu.memory_space<hbm>>)
    %dma_start3A_190 = arith.constant 126 : i32
    %dma_start3A_191 = arith.constant 0 : i32
    %dma_start3A_192 = arith.constant 0 : i32
    %dma_start3A_193 = arith.constant 0 : i32
    %dma_start3A_194 = tpu.memref_slice %arg6[%dma_start3A_191, %dma_start3A_192, %dma_start3A_193] : memref<6x200x64xf32, #tpu.memory_space<vmem>> -> memref<1x200x64xf32, #tpu.memory_space<vmem>>
    %dma_start3A_195 = tpu.memref_squeeze %dma_start3A_194 : memref<1x200x64xf32, #tpu.memory_space<vmem>> -> memref<200x64xf32, #tpu.memory_space<vmem>>
    %dma_start3A_196 = arith.constant 0 : i32
    %dma_start3A_197 = tpu.memref_slice %arg5[%dma_start3A_190, %dma_start3A_196] : memref<128x200xi32, #tpu.memory_space<vmem>> -> memref<1x200xi32, #tpu.memory_space<vmem>>
    %dma_start3A_198 = tpu.memref_squeeze %dma_start3A_197 : memref<1x200xi32, #tpu.memory_space<vmem>> -> memref<200xi32, #tpu.memory_space<vmem>>
    %dma_start3A_199 = arith.constant 0 : i32
    %dma_start3A_200 = arith.constant 0 : i32
    %dma_start3A_201 = tpu.memref_slice %arg3[%dma_start3A_199, %dma_start3A_200] : memref<100000x64xf32, #tpu.memory_space<hbm>> -> memref<100000x64xf32, #tpu.memory_space<hbm>>
    tpu.enqueue_indirect_dma source(%dma_start3A_201 : memref<100000x64xf32, #tpu.memory_space<hbm>>) target(%dma_start3A_195 : memref<200x64xf32, #tpu.memory_space<vmem>>) offsets(%dma_start3A_198 : memref<200xi32, #tpu.memory_space<vmem>>) semaphore(%arg7 : memref<!tpu.dma_semaphore, #tpu.memory_space<semaphore_mem>>)
    %dma_wait3A_202 = arith.constant 123 : i32
    %dma_wait3A_203 = arith.constant 3 : i32
    %dma_wait3A_204 = arith.constant 0 : i32
    %dma_wait3A_205 = arith.constant 0 : i32
    %dma_wait3A_206 = tpu.memref_slice %arg6[%dma_wait3A_203, %dma_wait3A_204, %dma_wait3A_205] : memref<6x200x64xf32, #tpu.memory_space<vmem>> -> memref<1x200x64xf32, #tpu.memory_space<vmem>>
    %dma_wait3A_207 = tpu.memref_squeeze %dma_wait3A_206 : memref<1x200x64xf32, #tpu.memory_space<vmem>> -> memref<200x64xf32, #tpu.memory_space<vmem>>
    %dma_wait3A_208 = arith.constant 0 : i32
    %dma_wait3A_209 = tpu.memref_slice %arg5[%dma_wait3A_202, %dma_wait3A_208] : memref<128x200xi32, #tpu.memory_space<vmem>> -> memref<1x200xi32, #tpu.memory_space<vmem>>
    %dma_wait3A_210 = tpu.memref_squeeze %dma_wait3A_209 : memref<1x200xi32, #tpu.memory_space<vmem>> -> memref<200xi32, #tpu.memory_space<vmem>>
    %dma_wait3A_211 = arith.constant 0 : i32
    %dma_wait3A_212 = arith.constant 0 : i32
    %dma_wait3A_213 = tpu.memref_slice %arg3[%dma_wait3A_211, %dma_wait3A_212] : memref<100000x64xf32, #tpu.memory_space<hbm>> -> memref<100000x64xf32, #tpu.memory_space<hbm>>
    tpu.wait_indirect_dma semaphore(%arg10 : memref<!tpu.dma_semaphore, #tpu.memory_space<semaphore_mem>>) src(%dma_wait3A_213 : memref<100000x64xf32, #tpu.memory_space<hbm>>) dst(%dma_wait3A_207 : memref<200x64xf32, #tpu.memory_space<vmem>>)
    %add3A_214 = arith.constant 123 : i32
    %add3A_215 = arith.addi %mul3A_2, %add3A_214 : i32
    %dma_start3A_216 = arith.constant 3 : i32
    %dma_start3A_217 = arith.constant 0 : i32
    %dma_start3A_218 = arith.constant 0 : i32
    %dma_start3A_219 = tpu.memref_slice %arg6[%dma_start3A_216, %dma_start3A_217, %dma_start3A_218] : memref<6x200x64xf32, #tpu.memory_space<vmem>> -> memref<1x200x64xf32, #tpu.memory_space<vmem>>
    %dma_start3A_220 = tpu.memref_squeeze %dma_start3A_219 : memref<1x200x64xf32, #tpu.memory_space<vmem>> -> memref<200x64xf32, #tpu.memory_space<vmem>>
    %dma_start3A_221 = arith.constant 0 : i32
    %dma_start3A_222 = arith.constant 0 : i32
    %dma_start3A_223 = tpu.memref_slice %arg4[%add3A_215, %dma_start3A_221, %dma_start3A_222] : memref<4096x200x64xf32, #tpu.memory_space<hbm>> -> memref<1x200x64xf32, #tpu.memory_space<hbm>>
    %dma_start3A_224 = tpu.memref_squeeze %dma_start3A_223 : memref<1x200x64xf32, #tpu.memory_space<hbm>> -> memref<200x64xf32, #tpu.memory_space<hbm>>
    %dma_start3A_225 = arith.constant 0 : i32
    %dma_start3A_226 = arith.constant 0 : i32
    %dma_start3A_227 = tpu.memref_slice %arg4[%add3A_215, %dma_start3A_225, %dma_start3A_226] : memref<4096x200x64xf32, #tpu.memory_space<hbm>> -> memref<1x200x64xf32, #tpu.memory_space<hbm>>
    %dma_start3A_228 = tpu.memref_squeeze %dma_start3A_227 : memref<1x200x64xf32, #tpu.memory_space<hbm>> -> memref<200x64xf32, #tpu.memory_space<hbm>>
    %dma_start3A_229 = arith.constant 0 : i32
    %dma_start3A_230 = arith.constant 0 : i32
    %dma_start3A_231 = tpu.memref_slice %arg6[%dma_start3A_216, %dma_start3A_229, %dma_start3A_230] : memref<6x200x64xf32, #tpu.memory_space<vmem>> -> memref<1x200x64xf32, #tpu.memory_space<vmem>>
    %dma_start3A_232 = tpu.memref_squeeze %dma_start3A_231 : memref<1x200x64xf32, #tpu.memory_space<vmem>> -> memref<200x64xf32, #tpu.memory_space<vmem>>
    tpu.enqueue_dma source(%dma_start3A_232 : memref<200x64xf32, #tpu.memory_space<vmem>>) target(%dma_start3A_228 : memref<200x64xf32, #tpu.memory_space<hbm>>) target_semaphore(%arg16 : memref<!tpu.dma_semaphore, #tpu.memory_space<semaphore_mem>>)
    %add3A_233 = arith.constant 121 : i32
    %add3A_234 = arith.addi %mul3A_2, %add3A_233 : i32
    %dma_wait3A_235 = arith.constant 1 : i32
    %dma_wait3A_236 = arith.constant 0 : i32
    %dma_wait3A_237 = arith.constant 0 : i32
    %dma_wait3A_238 = tpu.memref_slice %arg6[%dma_wait3A_235, %dma_wait3A_236, %dma_wait3A_237] : memref<6x200x64xf32, #tpu.memory_space<vmem>> -> memref<1x200x64xf32, #tpu.memory_space<vmem>>
    %dma_wait3A_239 = tpu.memref_squeeze %dma_wait3A_238 : memref<1x200x64xf32, #tpu.memory_space<vmem>> -> memref<200x64xf32, #tpu.memory_space<vmem>>
    %dma_wait3A_240 = arith.constant 0 : i32
    %dma_wait3A_241 = arith.constant 0 : i32
    %dma_wait3A_242 = tpu.memref_slice %arg4[%add3A_234, %dma_wait3A_240, %dma_wait3A_241] : memref<4096x200x64xf32, #tpu.memory_space<hbm>> -> memref<1x200x64xf32, #tpu.memory_space<hbm>>
    %dma_wait3A_243 = tpu.memref_squeeze %dma_wait3A_242 : memref<1x200x64xf32, #tpu.memory_space<hbm>> -> memref<200x64xf32, #tpu.memory_space<hbm>>
    %dma_wait3A_244 = arith.constant 0 : i32
    %dma_wait3A_245 = arith.constant 0 : i32
    %dma_wait3A_246 = tpu.memref_slice %arg4[%add3A_234, %dma_wait3A_244, %dma_wait3A_245] : memref<4096x200x64xf32, #tpu.memory_space<hbm>> -> memref<1x200x64xf32, #tpu.memory_space<hbm>>
    %dma_wait3A_247 = tpu.memref_squeeze %dma_wait3A_246 : memref<1x200x64xf32, #tpu.memory_space<hbm>> -> memref<200x64xf32, #tpu.memory_space<hbm>>
    %dma_wait3A_248 = arith.constant 0 : i32
    %dma_wait3A_249 = arith.constant 0 : i32
    %dma_wait3A_250 = tpu.memref_slice %arg6[%dma_wait3A_235, %dma_wait3A_248, %dma_wait3A_249] : memref<6x200x64xf32, #tpu.memory_space<vmem>> -> memref<1x200x64xf32, #tpu.memory_space<vmem>>
    %dma_wait3A_251 = tpu.memref_squeeze %dma_wait3A_250 : memref<1x200x64xf32, #tpu.memory_space<vmem>> -> memref<200x64xf32, #tpu.memory_space<vmem>>
    tpu.wait_dma2 semaphore(%arg14 : memref<!tpu.dma_semaphore, #tpu.memory_space<semaphore_mem>>) src(%dma_wait3A_251 : memref<200x64xf32, #tpu.memory_space<vmem>>) dst(%dma_wait3A_247 : memref<200x64xf32, #tpu.memory_space<hbm>>)
    %dma_start3A_252 = arith.constant 127 : i32
    %dma_start3A_253 = arith.constant 1 : i32
    %dma_start3A_254 = arith.constant 0 : i32
    %dma_start3A_255 = arith.constant 0 : i32
    %dma_start3A_256 = tpu.memref_slice %arg6[%dma_start3A_253, %dma_start3A_254, %dma_start3A_255] : memref<6x200x64xf32, #tpu.memory_space<vmem>> -> memref<1x200x64xf32, #tpu.memory_space<vmem>>
    %dma_start3A_257 = tpu.memref_squeeze %dma_start3A_256 : memref<1x200x64xf32, #tpu.memory_space<vmem>> -> memref<200x64xf32, #tpu.memory_space<vmem>>
    %dma_start3A_258 = arith.constant 0 : i32
    %dma_start3A_259 = tpu.memref_slice %arg5[%dma_start3A_252, %dma_start3A_258] : memref<128x200xi32, #tpu.memory_space<vmem>> -> memref<1x200xi32, #tpu.memory_space<vmem>>
    %dma_start3A_260 = tpu.memref_squeeze %dma_start3A_259 : memref<1x200xi32, #tpu.memory_space<vmem>> -> memref<200xi32, #tpu.memory_space<vmem>>
    %dma_start3A_261 = arith.constant 0 : i32
    %dma_start3A_262 = arith.constant 0 : i32
    %dma_start3A_263 = tpu.memref_slice %arg3[%dma_start3A_261, %dma_start3A_262] : memref<100000x64xf32, #tpu.memory_space<hbm>> -> memref<100000x64xf32, #tpu.memory_space<hbm>>
    tpu.enqueue_indirect_dma source(%dma_start3A_263 : memref<100000x64xf32, #tpu.memory_space<hbm>>) target(%dma_start3A_257 : memref<200x64xf32, #tpu.memory_space<vmem>>) offsets(%dma_start3A_260 : memref<200xi32, #tpu.memory_space<vmem>>) semaphore(%arg8 : memref<!tpu.dma_semaphore, #tpu.memory_space<semaphore_mem>>)
    %dma_wait3A_264 = arith.constant 124 : i32
    %dma_wait3A_265 = arith.constant 4 : i32
    %dma_wait3A_266 = arith.constant 0 : i32
    %dma_wait3A_267 = arith.constant 0 : i32
    %dma_wait3A_268 = tpu.memref_slice %arg6[%dma_wait3A_265, %dma_wait3A_266, %dma_wait3A_267] : memref<6x200x64xf32, #tpu.memory_space<vmem>> -> memref<1x200x64xf32, #tpu.memory_space<vmem>>
    %dma_wait3A_269 = tpu.memref_squeeze %dma_wait3A_268 : memref<1x200x64xf32, #tpu.memory_space<vmem>> -> memref<200x64xf32, #tpu.memory_space<vmem>>
    %dma_wait3A_270 = arith.constant 0 : i32
    %dma_wait3A_271 = tpu.memref_slice %arg5[%dma_wait3A_264, %dma_wait3A_270] : memref<128x200xi32, #tpu.memory_space<vmem>> -> memref<1x200xi32, #tpu.memory_space<vmem>>
    %dma_wait3A_272 = tpu.memref_squeeze %dma_wait3A_271 : memref<1x200xi32, #tpu.memory_space<vmem>> -> memref<200xi32, #tpu.memory_space<vmem>>
    %dma_wait3A_273 = arith.constant 0 : i32
    %dma_wait3A_274 = arith.constant 0 : i32
    %dma_wait3A_275 = tpu.memref_slice %arg3[%dma_wait3A_273, %dma_wait3A_274] : memref<100000x64xf32, #tpu.memory_space<hbm>> -> memref<100000x64xf32, #tpu.memory_space<hbm>>
    tpu.wait_indirect_dma semaphore(%arg11 : memref<!tpu.dma_semaphore, #tpu.memory_space<semaphore_mem>>) src(%dma_wait3A_275 : memref<100000x64xf32, #tpu.memory_space<hbm>>) dst(%dma_wait3A_269 : memref<200x64xf32, #tpu.memory_space<vmem>>)
    %add3A_276 = arith.constant 124 : i32
    %add3A_277 = arith.addi %mul3A_2, %add3A_276 : i32
    %dma_start3A_278 = arith.constant 4 : i32
    %dma_start3A_279 = arith.constant 0 : i32
    %dma_start3A_280 = arith.constant 0 : i32
    %dma_start3A_281 = tpu.memref_slice %arg6[%dma_start3A_278, %dma_start3A_279, %dma_start3A_280] : memref<6x200x64xf32, #tpu.memory_space<vmem>> -> memref<1x200x64xf32, #tpu.memory_space<vmem>>
    %dma_start3A_282 = tpu.memref_squeeze %dma_start3A_281 : memref<1x200x64xf32, #tpu.memory_space<vmem>> -> memref<200x64xf32, #tpu.memory_space<vmem>>
    %dma_start3A_283 = arith.constant 0 : i32
    %dma_start3A_284 = arith.constant 0 : i32
    %dma_start3A_285 = tpu.memref_slice %arg4[%add3A_277, %dma_start3A_283, %dma_start3A_284] : memref<4096x200x64xf32, #tpu.memory_space<hbm>> -> memref<1x200x64xf32, #tpu.memory_space<hbm>>
    %dma_start3A_286 = tpu.memref_squeeze %dma_start3A_285 : memref<1x200x64xf32, #tpu.memory_space<hbm>> -> memref<200x64xf32, #tpu.memory_space<hbm>>
    %dma_start3A_287 = arith.constant 0 : i32
    %dma_start3A_288 = arith.constant 0 : i32
    %dma_start3A_289 = tpu.memref_slice %arg4[%add3A_277, %dma_start3A_287, %dma_start3A_288] : memref<4096x200x64xf32, #tpu.memory_space<hbm>> -> memref<1x200x64xf32, #tpu.memory_space<hbm>>
    %dma_start3A_290 = tpu.memref_squeeze %dma_start3A_289 : memref<1x200x64xf32, #tpu.memory_space<hbm>> -> memref<200x64xf32, #tpu.memory_space<hbm>>
    %dma_start3A_291 = arith.constant 0 : i32
    %dma_start3A_292 = arith.constant 0 : i32
    %dma_start3A_293 = tpu.memref_slice %arg6[%dma_start3A_278, %dma_start3A_291, %dma_start3A_292] : memref<6x200x64xf32, #tpu.memory_space<vmem>> -> memref<1x200x64xf32, #tpu.memory_space<vmem>>
    %dma_start3A_294 = tpu.memref_squeeze %dma_start3A_293 : memref<1x200x64xf32, #tpu.memory_space<vmem>> -> memref<200x64xf32, #tpu.memory_space<vmem>>
    tpu.enqueue_dma source(%dma_start3A_294 : memref<200x64xf32, #tpu.memory_space<vmem>>) target(%dma_start3A_290 : memref<200x64xf32, #tpu.memory_space<hbm>>) target_semaphore(%arg17 : memref<!tpu.dma_semaphore, #tpu.memory_space<semaphore_mem>>)
    %dma_wait3A_295 = arith.constant 125 : i32
    %dma_wait3A_296 = arith.constant 5 : i32
    %dma_wait3A_297 = arith.constant 0 : i32
    %dma_wait3A_298 = arith.constant 0 : i32
    %dma_wait3A_299 = tpu.memref_slice %arg6[%dma_wait3A_296, %dma_wait3A_297, %dma_wait3A_298] : memref<6x200x64xf32, #tpu.memory_space<vmem>> -> memref<1x200x64xf32, #tpu.memory_space<vmem>>
    %dma_wait3A_300 = tpu.memref_squeeze %dma_wait3A_299 : memref<1x200x64xf32, #tpu.memory_space<vmem>> -> memref<200x64xf32, #tpu.memory_space<vmem>>
    %dma_wait3A_301 = arith.constant 0 : i32
    %dma_wait3A_302 = tpu.memref_slice %arg5[%dma_wait3A_295, %dma_wait3A_301] : memref<128x200xi32, #tpu.memory_space<vmem>> -> memref<1x200xi32, #tpu.memory_space<vmem>>
    %dma_wait3A_303 = tpu.memref_squeeze %dma_wait3A_302 : memref<1x200xi32, #tpu.memory_space<vmem>> -> memref<200xi32, #tpu.memory_space<vmem>>
    %dma_wait3A_304 = arith.constant 0 : i32
    %dma_wait3A_305 = arith.constant 0 : i32
    %dma_wait3A_306 = tpu.memref_slice %arg3[%dma_wait3A_304, %dma_wait3A_305] : memref<100000x64xf32, #tpu.memory_space<hbm>> -> memref<100000x64xf32, #tpu.memory_space<hbm>>
    tpu.wait_indirect_dma semaphore(%arg12 : memref<!tpu.dma_semaphore, #tpu.memory_space<semaphore_mem>>) src(%dma_wait3A_306 : memref<100000x64xf32, #tpu.memory_space<hbm>>) dst(%dma_wait3A_300 : memref<200x64xf32, #tpu.memory_space<vmem>>)
    %add3A_307 = arith.constant 125 : i32
    %add3A_308 = arith.addi %mul3A_2, %add3A_307 : i32
    %dma_start3A_309 = arith.constant 5 : i32
    %dma_start3A_310 = arith.constant 0 : i32
    %dma_start3A_311 = arith.constant 0 : i32
    %dma_start3A_312 = tpu.memref_slice %arg6[%dma_start3A_309, %dma_start3A_310, %dma_start3A_311] : memref<6x200x64xf32, #tpu.memory_space<vmem>> -> memref<1x200x64xf32, #tpu.memory_space<vmem>>
    %dma_start3A_313 = tpu.memref_squeeze %dma_start3A_312 : memref<1x200x64xf32, #tpu.memory_space<vmem>> -> memref<200x64xf32, #tpu.memory_space<vmem>>
    %dma_start3A_314 = arith.constant 0 : i32
    %dma_start3A_315 = arith.constant 0 : i32
    %dma_start3A_316 = tpu.memref_slice %arg4[%add3A_308, %dma_start3A_314, %dma_start3A_315] : memref<4096x200x64xf32, #tpu.memory_space<hbm>> -> memref<1x200x64xf32, #tpu.memory_space<hbm>>
    %dma_start3A_317 = tpu.memref_squeeze %dma_start3A_316 : memref<1x200x64xf32, #tpu.memory_space<hbm>> -> memref<200x64xf32, #tpu.memory_space<hbm>>
    %dma_start3A_318 = arith.constant 0 : i32
    %dma_start3A_319 = arith.constant 0 : i32
    %dma_start3A_320 = tpu.memref_slice %arg4[%add3A_308, %dma_start3A_318, %dma_start3A_319] : memref<4096x200x64xf32, #tpu.memory_space<hbm>> -> memref<1x200x64xf32, #tpu.memory_space<hbm>>
    %dma_start3A_321 = tpu.memref_squeeze %dma_start3A_320 : memref<1x200x64xf32, #tpu.memory_space<hbm>> -> memref<200x64xf32, #tpu.memory_space<hbm>>
    %dma_start3A_322 = arith.constant 0 : i32
    %dma_start3A_323 = arith.constant 0 : i32
    %dma_start3A_324 = tpu.memref_slice %arg6[%dma_start3A_309, %dma_start3A_322, %dma_start3A_323] : memref<6x200x64xf32, #tpu.memory_space<vmem>> -> memref<1x200x64xf32, #tpu.memory_space<vmem>>
    %dma_start3A_325 = tpu.memref_squeeze %dma_start3A_324 : memref<1x200x64xf32, #tpu.memory_space<vmem>> -> memref<200x64xf32, #tpu.memory_space<vmem>>
    tpu.enqueue_dma source(%dma_start3A_325 : memref<200x64xf32, #tpu.memory_space<vmem>>) target(%dma_start3A_321 : memref<200x64xf32, #tpu.memory_space<hbm>>) target_semaphore(%arg18 : memref<!tpu.dma_semaphore, #tpu.memory_space<semaphore_mem>>)
    %dma_wait3A_326 = arith.constant 126 : i32
    %dma_wait3A_327 = arith.constant 0 : i32
    %dma_wait3A_328 = arith.constant 0 : i32
    %dma_wait3A_329 = arith.constant 0 : i32
    %dma_wait3A_330 = tpu.memref_slice %arg6[%dma_wait3A_327, %dma_wait3A_328, %dma_wait3A_329] : memref<6x200x64xf32, #tpu.memory_space<vmem>> -> memref<1x200x64xf32, #tpu.memory_space<vmem>>
    %dma_wait3A_331 = tpu.memref_squeeze %dma_wait3A_330 : memref<1x200x64xf32, #tpu.memory_space<vmem>> -> memref<200x64xf32, #tpu.memory_space<vmem>>
    %dma_wait3A_332 = arith.constant 0 : i32
    %dma_wait3A_333 = tpu.memref_slice %arg5[%dma_wait3A_326, %dma_wait3A_332] : memref<128x200xi32, #tpu.memory_space<vmem>> -> memref<1x200xi32, #tpu.memory_space<vmem>>
    %dma_wait3A_334 = tpu.memref_squeeze %dma_wait3A_333 : memref<1x200xi32, #tpu.memory_space<vmem>> -> memref<200xi32, #tpu.memory_space<vmem>>
    %dma_wait3A_335 = arith.constant 0 : i32
    %dma_wait3A_336 = arith.constant 0 : i32
    %dma_wait3A_337 = tpu.memref_slice %arg3[%dma_wait3A_335, %dma_wait3A_336] : memref<100000x64xf32, #tpu.memory_space<hbm>> -> memref<100000x64xf32, #tpu.memory_space<hbm>>
    tpu.wait_indirect_dma semaphore(%arg7 : memref<!tpu.dma_semaphore, #tpu.memory_space<semaphore_mem>>) src(%dma_wait3A_337 : memref<100000x64xf32, #tpu.memory_space<hbm>>) dst(%dma_wait3A_331 : memref<200x64xf32, #tpu.memory_space<vmem>>)
    %add3A_338 = arith.constant 126 : i32
    %add3A_339 = arith.addi %mul3A_2, %add3A_338 : i32
    %dma_start3A_340 = arith.constant 0 : i32
    %dma_start3A_341 = arith.constant 0 : i32
    %dma_start3A_342 = arith.constant 0 : i32
    %dma_start3A_343 = tpu.memref_slice %arg6[%dma_start3A_340, %dma_start3A_341, %dma_start3A_342] : memref<6x200x64xf32, #tpu.memory_space<vmem>> -> memref<1x200x64xf32, #tpu.memory_space<vmem>>
    %dma_start3A_344 = tpu.memref_squeeze %dma_start3A_343 : memref<1x200x64xf32, #tpu.memory_space<vmem>> -> memref<200x64xf32, #tpu.memory_space<vmem>>
    %dma_start3A_345 = arith.constant 0 : i32
    %dma_start3A_346 = arith.constant 0 : i32
    %dma_start3A_347 = tpu.memref_slice %arg4[%add3A_339, %dma_start3A_345, %dma_start3A_346] : memref<4096x200x64xf32, #tpu.memory_space<hbm>> -> memref<1x200x64xf32, #tpu.memory_space<hbm>>
    %dma_start3A_348 = tpu.memref_squeeze %dma_start3A_347 : memref<1x200x64xf32, #tpu.memory_space<hbm>> -> memref<200x64xf32, #tpu.memory_space<hbm>>
    %dma_start3A_349 = arith.constant 0 : i32
    %dma_start3A_350 = arith.constant 0 : i32
    %dma_start3A_351 = tpu.memref_slice %arg4[%add3A_339, %dma_start3A_349, %dma_start3A_350] : memref<4096x200x64xf32, #tpu.memory_space<hbm>> -> memref<1x200x64xf32, #tpu.memory_space<hbm>>
    %dma_start3A_352 = tpu.memref_squeeze %dma_start3A_351 : memref<1x200x64xf32, #tpu.memory_space<hbm>> -> memref<200x64xf32, #tpu.memory_space<hbm>>
    %dma_start3A_353 = arith.constant 0 : i32
    %dma_start3A_354 = arith.constant 0 : i32
    %dma_start3A_355 = tpu.memref_slice %arg6[%dma_start3A_340, %dma_start3A_353, %dma_start3A_354] : memref<6x200x64xf32, #tpu.memory_space<vmem>> -> memref<1x200x64xf32, #tpu.memory_space<vmem>>
    %dma_start3A_356 = tpu.memref_squeeze %dma_start3A_355 : memref<1x200x64xf32, #tpu.memory_space<vmem>> -> memref<200x64xf32, #tpu.memory_space<vmem>>
    tpu.enqueue_dma source(%dma_start3A_356 : memref<200x64xf32, #tpu.memory_space<vmem>>) target(%dma_start3A_352 : memref<200x64xf32, #tpu.memory_space<hbm>>) target_semaphore(%arg13 : memref<!tpu.dma_semaphore, #tpu.memory_space<semaphore_mem>>)
    %dma_wait3A_357 = arith.constant 127 : i32
    %dma_wait3A_358 = arith.constant 1 : i32
    %dma_wait3A_359 = arith.constant 0 : i32
    %dma_wait3A_360 = arith.constant 0 : i32
    %dma_wait3A_361 = tpu.memref_slice %arg6[%dma_wait3A_358, %dma_wait3A_359, %dma_wait3A_360] : memref<6x200x64xf32, #tpu.memory_space<vmem>> -> memref<1x200x64xf32, #tpu.memory_space<vmem>>
    %dma_wait3A_362 = tpu.memref_squeeze %dma_wait3A_361 : memref<1x200x64xf32, #tpu.memory_space<vmem>> -> memref<200x64xf32, #tpu.memory_space<vmem>>
    %dma_wait3A_363 = arith.constant 0 : i32
    %dma_wait3A_364 = tpu.memref_slice %arg5[%dma_wait3A_357, %dma_wait3A_363] : memref<128x200xi32, #tpu.memory_space<vmem>> -> memref<1x200xi32, #tpu.memory_space<vmem>>
    %dma_wait3A_365 = tpu.memref_squeeze %dma_wait3A_364 : memref<1x200xi32, #tpu.memory_space<vmem>> -> memref<200xi32, #tpu.memory_space<vmem>>
    %dma_wait3A_366 = arith.constant 0 : i32
    %dma_wait3A_367 = arith.constant 0 : i32
    %dma_wait3A_368 = tpu.memref_slice %arg3[%dma_wait3A_366, %dma_wait3A_367] : memref<100000x64xf32, #tpu.memory_space<hbm>> -> memref<100000x64xf32, #tpu.memory_space<hbm>>
    tpu.wait_indirect_dma semaphore(%arg8 : memref<!tpu.dma_semaphore, #tpu.memory_space<semaphore_mem>>) src(%dma_wait3A_368 : memref<100000x64xf32, #tpu.memory_space<hbm>>) dst(%dma_wait3A_362 : memref<200x64xf32, #tpu.memory_space<vmem>>)
    %add3A_369 = arith.constant 127 : i32
    %add3A_370 = arith.addi %mul3A_2, %add3A_369 : i32
    %dma_start3A_371 = arith.constant 1 : i32
    %dma_start3A_372 = arith.constant 0 : i32
    %dma_start3A_373 = arith.constant 0 : i32
    %dma_start3A_374 = tpu.memref_slice %arg6[%dma_start3A_371, %dma_start3A_372, %dma_start3A_373] : memref<6x200x64xf32, #tpu.memory_space<vmem>> -> memref<1x200x64xf32, #tpu.memory_space<vmem>>
    %dma_start3A_375 = tpu.memref_squeeze %dma_start3A_374 : memref<1x200x64xf32, #tpu.memory_space<vmem>> -> memref<200x64xf32, #tpu.memory_space<vmem>>
    %dma_start3A_376 = arith.constant 0 : i32
    %dma_start3A_377 = arith.constant 0 : i32
    %dma_start3A_378 = tpu.memref_slice %arg4[%add3A_370, %dma_start3A_376, %dma_start3A_377] : memref<4096x200x64xf32, #tpu.memory_space<hbm>> -> memref<1x200x64xf32, #tpu.memory_space<hbm>>
    %dma_start3A_379 = tpu.memref_squeeze %dma_start3A_378 : memref<1x200x64xf32, #tpu.memory_space<hbm>> -> memref<200x64xf32, #tpu.memory_space<hbm>>
    %dma_start3A_380 = arith.constant 0 : i32
    %dma_start3A_381 = arith.constant 0 : i32
    %dma_start3A_382 = tpu.memref_slice %arg4[%add3A_370, %dma_start3A_380, %dma_start3A_381] : memref<4096x200x64xf32, #tpu.memory_space<hbm>> -> memref<1x200x64xf32, #tpu.memory_space<hbm>>
    %dma_start3A_383 = tpu.memref_squeeze %dma_start3A_382 : memref<1x200x64xf32, #tpu.memory_space<hbm>> -> memref<200x64xf32, #tpu.memory_space<hbm>>
    %dma_start3A_384 = arith.constant 0 : i32
    %dma_start3A_385 = arith.constant 0 : i32
    %dma_start3A_386 = tpu.memref_slice %arg6[%dma_start3A_371, %dma_start3A_384, %dma_start3A_385] : memref<6x200x64xf32, #tpu.memory_space<vmem>> -> memref<1x200x64xf32, #tpu.memory_space<vmem>>
    %dma_start3A_387 = tpu.memref_squeeze %dma_start3A_386 : memref<1x200x64xf32, #tpu.memory_space<vmem>> -> memref<200x64xf32, #tpu.memory_space<vmem>>
    tpu.enqueue_dma source(%dma_start3A_387 : memref<200x64xf32, #tpu.memory_space<vmem>>) target(%dma_start3A_383 : memref<200x64xf32, #tpu.memory_space<hbm>>) target_semaphore(%arg14 : memref<!tpu.dma_semaphore, #tpu.memory_space<semaphore_mem>>)
    %add3A_388 = arith.constant 122 : i32
    %add3A_389 = arith.addi %mul3A_2, %add3A_388 : i32
    %dma_wait3A_390 = arith.constant 2 : i32
    %dma_wait3A_391 = arith.constant 0 : i32
    %dma_wait3A_392 = arith.constant 0 : i32
    %dma_wait3A_393 = tpu.memref_slice %arg6[%dma_wait3A_390, %dma_wait3A_391, %dma_wait3A_392] : memref<6x200x64xf32, #tpu.memory_space<vmem>> -> memref<1x200x64xf32, #tpu.memory_space<vmem>>
    %dma_wait3A_394 = tpu.memref_squeeze %dma_wait3A_393 : memref<1x200x64xf32, #tpu.memory_space<vmem>> -> memref<200x64xf32, #tpu.memory_space<vmem>>
    %dma_wait3A_395 = arith.constant 0 : i32
    %dma_wait3A_396 = arith.constant 0 : i32
    %dma_wait3A_397 = tpu.memref_slice %arg4[%add3A_389, %dma_wait3A_395, %dma_wait3A_396] : memref<4096x200x64xf32, #tpu.memory_space<hbm>> -> memref<1x200x64xf32, #tpu.memory_space<hbm>>
    %dma_wait3A_398 = tpu.memref_squeeze %dma_wait3A_397 : memref<1x200x64xf32, #tpu.memory_space<hbm>> -> memref<200x64xf32, #tpu.memory_space<hbm>>
    %dma_wait3A_399 = arith.constant 0 : i32
    %dma_wait3A_400 = arith.constant 0 : i32
    %dma_wait3A_401 = tpu.memref_slice %arg4[%add3A_389, %dma_wait3A_399, %dma_wait3A_400] : memref<4096x200x64xf32, #tpu.memory_space<hbm>> -> memref<1x200x64xf32, #tpu.memory_space<hbm>>
    %dma_wait3A_402 = tpu.memref_squeeze %dma_wait3A_401 : memref<1x200x64xf32, #tpu.memory_space<hbm>> -> memref<200x64xf32, #tpu.memory_space<hbm>>
    %dma_wait3A_403 = arith.constant 0 : i32
    %dma_wait3A_404 = arith.constant 0 : i32
    %dma_wait3A_405 = tpu.memref_slice %arg6[%dma_wait3A_390, %dma_wait3A_403, %dma_wait3A_404] : memref<6x200x64xf32, #tpu.memory_space<vmem>> -> memref<1x200x64xf32, #tpu.memory_space<vmem>>
    %dma_wait3A_406 = tpu.memref_squeeze %dma_wait3A_405 : memref<1x200x64xf32, #tpu.memory_space<vmem>> -> memref<200x64xf32, #tpu.memory_space<vmem>>
    tpu.wait_dma2 semaphore(%arg15 : memref<!tpu.dma_semaphore, #tpu.memory_space<semaphore_mem>>) src(%dma_wait3A_406 : memref<200x64xf32, #tpu.memory_space<vmem>>) dst(%dma_wait3A_402 : memref<200x64xf32, #tpu.memory_space<hbm>>)
    %add3A_407 = arith.constant 123 : i32
    %add3A_408 = arith.addi %mul3A_2, %add3A_407 : i32
    %dma_wait3A_409 = arith.constant 3 : i32
    %dma_wait3A_410 = arith.constant 0 : i32
    %dma_wait3A_411 = arith.constant 0 : i32
    %dma_wait3A_412 = tpu.memref_slice %arg6[%dma_wait3A_409, %dma_wait3A_410, %dma_wait3A_411] : memref<6x200x64xf32, #tpu.memory_space<vmem>> -> memref<1x200x64xf32, #tpu.memory_space<vmem>>
    %dma_wait3A_413 = tpu.memref_squeeze %dma_wait3A_412 : memref<1x200x64xf32, #tpu.memory_space<vmem>> -> memref<200x64xf32, #tpu.memory_space<vmem>>
    %dma_wait3A_414 = arith.constant 0 : i32
    %dma_wait3A_415 = arith.constant 0 : i32
    %dma_wait3A_416 = tpu.memref_slice %arg4[%add3A_408, %dma_wait3A_414, %dma_wait3A_415] : memref<4096x200x64xf32, #tpu.memory_space<hbm>> -> memref<1x200x64xf32, #tpu.memory_space<hbm>>
    %dma_wait3A_417 = tpu.memref_squeeze %dma_wait3A_416 : memref<1x200x64xf32, #tpu.memory_space<hbm>> -> memref<200x64xf32, #tpu.memory_space<hbm>>
    %dma_wait3A_418 = arith.constant 0 : i32
    %dma_wait3A_419 = arith.constant 0 : i32
    %dma_wait3A_420 = tpu.memref_slice %arg4[%add3A_408, %dma_wait3A_418, %dma_wait3A_419] : memref<4096x200x64xf32, #tpu.memory_space<hbm>> -> memref<1x200x64xf32, #tpu.memory_space<hbm>>
    %dma_wait3A_421 = tpu.memref_squeeze %dma_wait3A_420 : memref<1x200x64xf32, #tpu.memory_space<hbm>> -> memref<200x64xf32, #tpu.memory_space<hbm>>
    %dma_wait3A_422 = arith.constant 0 : i32
    %dma_wait3A_423 = arith.constant 0 : i32
    %dma_wait3A_424 = tpu.memref_slice %arg6[%dma_wait3A_409, %dma_wait3A_422, %dma_wait3A_423] : memref<6x200x64xf32, #tpu.memory_space<vmem>> -> memref<1x200x64xf32, #tpu.memory_space<vmem>>
    %dma_wait3A_425 = tpu.memref_squeeze %dma_wait3A_424 : memref<1x200x64xf32, #tpu.memory_space<vmem>> -> memref<200x64xf32, #tpu.memory_space<vmem>>
    tpu.wait_dma2 semaphore(%arg16 : memref<!tpu.dma_semaphore, #tpu.memory_space<semaphore_mem>>) src(%dma_wait3A_425 : memref<200x64xf32, #tpu.memory_space<vmem>>) dst(%dma_wait3A_421 : memref<200x64xf32, #tpu.memory_space<hbm>>)
    %add3A_426 = arith.constant 124 : i32
    %add3A_427 = arith.addi %mul3A_2, %add3A_426 : i32
    %dma_wait3A_428 = arith.constant 4 : i32
    %dma_wait3A_429 = arith.constant 0 : i32
    %dma_wait3A_430 = arith.constant 0 : i32
    %dma_wait3A_431 = tpu.memref_slice %arg6[%dma_wait3A_428, %dma_wait3A_429, %dma_wait3A_430] : memref<6x200x64xf32, #tpu.memory_space<vmem>> -> memref<1x200x64xf32, #tpu.memory_space<vmem>>
    %dma_wait3A_432 = tpu.memref_squeeze %dma_wait3A_431 : memref<1x200x64xf32, #tpu.memory_space<vmem>> -> memref<200x64xf32, #tpu.memory_space<vmem>>
    %dma_wait3A_433 = arith.constant 0 : i32
    %dma_wait3A_434 = arith.constant 0 : i32
    %dma_wait3A_435 = tpu.memref_slice %arg4[%add3A_427, %dma_wait3A_433, %dma_wait3A_434] : memref<4096x200x64xf32, #tpu.memory_space<hbm>> -> memref<1x200x64xf32, #tpu.memory_space<hbm>>
    %dma_wait3A_436 = tpu.memref_squeeze %dma_wait3A_435 : memref<1x200x64xf32, #tpu.memory_space<hbm>> -> memref<200x64xf32, #tpu.memory_space<hbm>>
    %dma_wait3A_437 = arith.constant 0 : i32
    %dma_wait3A_438 = arith.constant 0 : i32
    %dma_wait3A_439 = tpu.memref_slice %arg4[%add3A_427, %dma_wait3A_437, %dma_wait3A_438] : memref<4096x200x64xf32, #tpu.memory_space<hbm>> -> memref<1x200x64xf32, #tpu.memory_space<hbm>>
    %dma_wait3A_440 = tpu.memref_squeeze %dma_wait3A_439 : memref<1x200x64xf32, #tpu.memory_space<hbm>> -> memref<200x64xf32, #tpu.memory_space<hbm>>
    %dma_wait3A_441 = arith.constant 0 : i32
    %dma_wait3A_442 = arith.constant 0 : i32
    %dma_wait3A_443 = tpu.memref_slice %arg6[%dma_wait3A_428, %dma_wait3A_441, %dma_wait3A_442] : memref<6x200x64xf32, #tpu.memory_space<vmem>> -> memref<1x200x64xf32, #tpu.memory_space<vmem>>
    %dma_wait3A_444 = tpu.memref_squeeze %dma_wait3A_443 : memref<1x200x64xf32, #tpu.memory_space<vmem>> -> memref<200x64xf32, #tpu.memory_space<vmem>>
    tpu.wait_dma2 semaphore(%arg17 : memref<!tpu.dma_semaphore, #tpu.memory_space<semaphore_mem>>) src(%dma_wait3A_444 : memref<200x64xf32, #tpu.memory_space<vmem>>) dst(%dma_wait3A_440 : memref<200x64xf32, #tpu.memory_space<hbm>>)
    %add3A_445 = arith.constant 125 : i32
    %add3A_446 = arith.addi %mul3A_2, %add3A_445 : i32
    %dma_wait3A_447 = arith.constant 5 : i32
    %dma_wait3A_448 = arith.constant 0 : i32
    %dma_wait3A_449 = arith.constant 0 : i32
    %dma_wait3A_450 = tpu.memref_slice %arg6[%dma_wait3A_447, %dma_wait3A_448, %dma_wait3A_449] : memref<6x200x64xf32, #tpu.memory_space<vmem>> -> memref<1x200x64xf32, #tpu.memory_space<vmem>>
    %dma_wait3A_451 = tpu.memref_squeeze %dma_wait3A_450 : memref<1x200x64xf32, #tpu.memory_space<vmem>> -> memref<200x64xf32, #tpu.memory_space<vmem>>
    %dma_wait3A_452 = arith.constant 0 : i32
    %dma_wait3A_453 = arith.constant 0 : i32
    %dma_wait3A_454 = tpu.memref_slice %arg4[%add3A_446, %dma_wait3A_452, %dma_wait3A_453] : memref<4096x200x64xf32, #tpu.memory_space<hbm>> -> memref<1x200x64xf32, #tpu.memory_space<hbm>>
    %dma_wait3A_455 = tpu.memref_squeeze %dma_wait3A_454 : memref<1x200x64xf32, #tpu.memory_space<hbm>> -> memref<200x64xf32, #tpu.memory_space<hbm>>
    %dma_wait3A_456 = arith.constant 0 : i32
    %dma_wait3A_457 = arith.constant 0 : i32
    %dma_wait3A_458 = tpu.memref_slice %arg4[%add3A_446, %dma_wait3A_456, %dma_wait3A_457] : memref<4096x200x64xf32, #tpu.memory_space<hbm>> -> memref<1x200x64xf32, #tpu.memory_space<hbm>>
    %dma_wait3A_459 = tpu.memref_squeeze %dma_wait3A_458 : memref<1x200x64xf32, #tpu.memory_space<hbm>> -> memref<200x64xf32, #tpu.memory_space<hbm>>
    %dma_wait3A_460 = arith.constant 0 : i32
    %dma_wait3A_461 = arith.constant 0 : i32
    %dma_wait3A_462 = tpu.memref_slice %arg6[%dma_wait3A_447, %dma_wait3A_460, %dma_wait3A_461] : memref<6x200x64xf32, #tpu.memory_space<vmem>> -> memref<1x200x64xf32, #tpu.memory_space<vmem>>
    %dma_wait3A_463 = tpu.memref_squeeze %dma_wait3A_462 : memref<1x200x64xf32, #tpu.memory_space<vmem>> -> memref<200x64xf32, #tpu.memory_space<vmem>>
    tpu.wait_dma2 semaphore(%arg18 : memref<!tpu.dma_semaphore, #tpu.memory_space<semaphore_mem>>) src(%dma_wait3A_463 : memref<200x64xf32, #tpu.memory_space<vmem>>) dst(%dma_wait3A_459 : memref<200x64xf32, #tpu.memory_space<hbm>>)
    %add3A_464 = arith.constant 126 : i32
    %add3A_465 = arith.addi %mul3A_2, %add3A_464 : i32
    %dma_wait3A_466 = arith.constant 0 : i32
    %dma_wait3A_467 = arith.constant 0 : i32
    %dma_wait3A_468 = arith.constant 0 : i32
    %dma_wait3A_469 = tpu.memref_slice %arg6[%dma_wait3A_466, %dma_wait3A_467, %dma_wait3A_468] : memref<6x200x64xf32, #tpu.memory_space<vmem>> -> memref<1x200x64xf32, #tpu.memory_space<vmem>>
    %dma_wait3A_470 = tpu.memref_squeeze %dma_wait3A_469 : memref<1x200x64xf32, #tpu.memory_space<vmem>> -> memref<200x64xf32, #tpu.memory_space<vmem>>
    %dma_wait3A_471 = arith.constant 0 : i32
    %dma_wait3A_472 = arith.constant 0 : i32
    %dma_wait3A_473 = tpu.memref_slice %arg4[%add3A_465, %dma_wait3A_471, %dma_wait3A_472] : memref<4096x200x64xf32, #tpu.memory_space<hbm>> -> memref<1x200x64xf32, #tpu.memory_space<hbm>>
    %dma_wait3A_474 = tpu.memref_squeeze %dma_wait3A_473 : memref<1x200x64xf32, #tpu.memory_space<hbm>> -> memref<200x64xf32, #tpu.memory_space<hbm>>
    %dma_wait3A_475 = arith.constant 0 : i32
    %dma_wait3A_476 = arith.constant 0 : i32
    %dma_wait3A_477 = tpu.memref_slice %arg4[%add3A_465, %dma_wait3A_475, %dma_wait3A_476] : memref<4096x200x64xf32, #tpu.memory_space<hbm>> -> memref<1x200x64xf32, #tpu.memory_space<hbm>>
    %dma_wait3A_478 = tpu.memref_squeeze %dma_wait3A_477 : memref<1x200x64xf32, #tpu.memory_space<hbm>> -> memref<200x64xf32, #tpu.memory_space<hbm>>
    %dma_wait3A_479 = arith.constant 0 : i32
    %dma_wait3A_480 = arith.constant 0 : i32
    %dma_wait3A_481 = tpu.memref_slice %arg6[%dma_wait3A_466, %dma_wait3A_479, %dma_wait3A_480] : memref<6x200x64xf32, #tpu.memory_space<vmem>> -> memref<1x200x64xf32, #tpu.memory_space<vmem>>
    %dma_wait3A_482 = tpu.memref_squeeze %dma_wait3A_481 : memref<1x200x64xf32, #tpu.memory_space<vmem>> -> memref<200x64xf32, #tpu.memory_space<vmem>>
    tpu.wait_dma2 semaphore(%arg13 : memref<!tpu.dma_semaphore, #tpu.memory_space<semaphore_mem>>) src(%dma_wait3A_482 : memref<200x64xf32, #tpu.memory_space<vmem>>) dst(%dma_wait3A_478 : memref<200x64xf32, #tpu.memory_space<hbm>>)
    %add3A_483 = arith.constant 127 : i32
    %add3A_484 = arith.addi %mul3A_2, %add3A_483 : i32
    %dma_wait3A_485 = arith.constant 1 : i32
    %dma_wait3A_486 = arith.constant 0 : i32
    %dma_wait3A_487 = arith.constant 0 : i32
    %dma_wait3A_488 = tpu.memref_slice %arg6[%dma_wait3A_485, %dma_wait3A_486, %dma_wait3A_487] : memref<6x200x64xf32, #tpu.memory_space<vmem>> -> memref<1x200x64xf32, #tpu.memory_space<vmem>>
    %dma_wait3A_489 = tpu.memref_squeeze %dma_wait3A_488 : memref<1x200x64xf32, #tpu.memory_space<vmem>> -> memref<200x64xf32, #tpu.memory_space<vmem>>
    %dma_wait3A_490 = arith.constant 0 : i32
    %dma_wait3A_491 = arith.constant 0 : i32
    %dma_wait3A_492 = tpu.memref_slice %arg4[%add3A_484, %dma_wait3A_490, %dma_wait3A_491] : memref<4096x200x64xf32, #tpu.memory_space<hbm>> -> memref<1x200x64xf32, #tpu.memory_space<hbm>>
    %dma_wait3A_493 = tpu.memref_squeeze %dma_wait3A_492 : memref<1x200x64xf32, #tpu.memory_space<hbm>> -> memref<200x64xf32, #tpu.memory_space<hbm>>
    %dma_wait3A_494 = arith.constant 0 : i32
    %dma_wait3A_495 = arith.constant 0 : i32
    %dma_wait3A_496 = tpu.memref_slice %arg4[%add3A_484, %dma_wait3A_494, %dma_wait3A_495] : memref<4096x200x64xf32, #tpu.memory_space<hbm>> -> memref<1x200x64xf32, #tpu.memory_space<hbm>>
    %dma_wait3A_497 = tpu.memref_squeeze %dma_wait3A_496 : memref<1x200x64xf32, #tpu.memory_space<hbm>> -> memref<200x64xf32, #tpu.memory_space<hbm>>
    %dma_wait3A_498 = arith.constant 0 : i32
    %dma_wait3A_499 = arith.constant 0 : i32
    %dma_wait3A_500 = tpu.memref_slice %arg6[%dma_wait3A_485, %dma_wait3A_498, %dma_wait3A_499] : memref<6x200x64xf32, #tpu.memory_space<vmem>> -> memref<1x200x64xf32, #tpu.memory_space<vmem>>
    %dma_wait3A_501 = tpu.memref_squeeze %dma_wait3A_500 : memref<1x200x64xf32, #tpu.memory_space<vmem>> -> memref<200x64xf32, #tpu.memory_space<vmem>>
    tpu.wait_dma2 semaphore(%arg14 : memref<!tpu.dma_semaphore, #tpu.memory_space<semaphore_mem>>) src(%dma_wait3A_501 : memref<200x64xf32, #tpu.memory_space<vmem>>) dst(%dma_wait3A_497 : memref<200x64xf32, #tpu.memory_space<hbm>>)
    return
  }
}

</mosaic_0001>

<sc_bundles>
// kernel: kernel.3.cloned.1.call-start
scs
__scs_entry_jumppad:
0x0: {  	(pc) =	sbr.rel $0x88, $3  }
0x1: {  	(tag) =	ssettag $0x0;
	lr =	simm.s32 $0x1  }
0x2: {  	[smem:$0x3F9F] =	sst lr;
	_ =	strace $0xD0000000  }
0x3: {  	_ = 	snop  }
0x4: {  	_ = 	snop  }
0x5: {  	_ = 	snop  }
0x6: {  	_ = 	snop  }
0x7: {  	_ = 	snop  }
__scs_overlays_trampoline_lowered:
0x8: {  	[smem:$0x3FAE] =	sst s0  }
0x9: {  	[smem:$0x3FAF] =	sst s1  }
0xa: {  	[smem:$0x3FB0] =	sst s2  }
0xb: {  	[smem:$0x3FB1] =	sst s3  }
0xc: {  	[smem:$0x3FB2] =	sst s4  }
0xd: {  	[smem:$0x3FB3] =	sst s5  }
0xe: {  	[smem:$0x3FB4] =	sst s6  }
0xf: {  	[smem:$0x3FB5] =	sst s7  }
0x10: {  	[smem:$0x3FB6] =	sst s8  }
0x11: {  	[smem:$0x3FB7] =	sst s9;
	s0 =	simm.s32 @!p0 $0x0  }
0x12: {  	s1 =	sld [smem:$0x3F9D];
	s0 =	simm.s32 @p0 $0x1  }
0x13: {  	[smem:$0x3FB8] =	sst s0;
	s0 =	simm.s32 @!p1 $0x0  }
0x14: {  	s2 =	sld [smem:$0x3F9C];
	s0 =	simm.s32 @p1 $0x1  }
0x15: {  	[smem:$0x3FB9] =	sst s0;
	s0 =	simm.s32 @!p2 $0x0  }
0x16: {  	s3 =	sld [smem:$0x3FDB];
	s0 =	simm.s32 @p2 $0x1  }
0x17: {  	s4 =	simm.s32 $0x1BF5;
	[smem:$0x3FBB] =	sst s0  }
0x18: {  	s0 =	sld [smem:$0x3F9E];
	_ =	swait.ge [sflag:s4], $0x0  }
0x19: {  	s7 =	sld [smem:$0x3F9F]  }
0x1a: {  	s8 =	sadd.s32 $0xFFFFE003, lr  }
0x1b: {  	s9 =	sadd.s32 $0xFFFFFEF7, lr;
	s5 =	simm.s32 $0xFFFFFFFF;
	p2 =	slt.u32 s8, $0xFFFFF086  }
0x1c: {  	p1 =	slt.u32 s9, $0xF7A;
	s5 =	simm.s32 @!p2 $0x0  }
0x1d: {  	s5 =	simm.s32 @p1 $0x1;
	p0 =	seq.s32 s7, s2  }
0x1e: {  	s7 =	smul.u32 @!p0 $0xF7A, s2;
	p2 =	seq.s32 @!p0 s5, $0x0  }
0x1f: {  	s9 =	smul.u32 $0xF7A, s1;
	s8 =	simm.s32 @!p0 $0x1BF5;
	p2 =	por !p2, p0  }
0x20: {  	[sflag:s8] =	ssyncset.s32 @!p0 $0xFFFFF086;
	s6 =	sadd.s32 @!p0 s3, s7;
	s7 =	simm.s32 @!p0 $0x108  }
0x21: {  	s3 =	sadd.s32 s3, s9;
	s6 =	sadd.s32 @!p0 $0x88, s6;
	s7 =	simm.s32 @p2 $0x1082  }
0x22: {  	[simem:s7], [sflag:s8] =	dma.local @!p0 [hbm:s6], $0xF7A  }
0x23: {  	s9 =	sor.u32 $0xD0000000, s2;
	s6 =	simm.s32 $0x108;
	_ =	swait.ge @!p0 [sflag:s8], $0x0  }
0x24: {  	s3 =	sadd.s32 $0x88, s3;
	s6 =	simm.s32 @!p1 $0x1082;
	[sflag:s4] =	ssyncset.s32 $0xFFFFF086  }
0x25: {  	[simem:s6], [sflag:s4] =	dma.local [hbm:s3], $0xF7A  }
0x26: {  	[smem:$0x3F9F] =	sst s1;
	(tag) =	ssettag s2;
	_ =	strace s9  }
0x27: {  	s1 =	sld [smem:$0x3FAF]  }
0x28: {  	s2 =	sld [smem:$0x3FB0]  }
0x29: {  	s4 =	sld [smem:$0x3FB2]  }
0x2a: {  	p0 =	seq.s32 s5, $0x0;
	s5 =	sld [smem:$0x3FB3]  }
0x2b: {  	s6 =	sld [smem:$0x3FB4]  }
0x2c: {  	s7 =	sld [smem:$0x3FB5]  }
0x2d: {  	s3 =	simm.s32 $0x108;
	s8 =	sld [smem:$0x3FB6]  }
0x2e: {  	s3 =	simm.s32 @!p0 $0x1082;
	s9 =	sld [smem:$0x3FB7]  }
0x2f: {  	lr =	sadd.s32 s0, s3;
	s0 =	sld [smem:$0x3FAE]  }
0x30: {  	s3 =	sld [smem:$0x3FB1]  }
0x31: {  	[smem:$0x3FBA] =	sst s10  }
0x32: {  	s10 =	sld [smem:$0x3FB8];
	_ =	sdelay $0x3  }
0x33: {  	p0 =	seq.s32 s10, $0x1;
	s10 =	sld [smem:$0x3FBA];
	_ =	sdelay $0x3  }
0x34: {  	[smem:$0x3FBA] =	sst s10  }
0x35: {  	s10 =	sld [smem:$0x3FB9];
	_ =	sdelay $0x3  }
0x36: {  	p1 =	seq.s32 s10, $0x1;
	s10 =	sld [smem:$0x3FBA];
	_ =	sdelay $0x3  }
0x37: {  	[smem:$0x3FBA] =	sst s10  }
0x38: {  	s10 =	sld [smem:$0x3FBB]  }
0x39: {  	_ = 	snop;
	(pc) =	sbr.ind lr, $3  }
0x3a: {  	_ = 	snop  }
0x3b: {  	_ = 	snop  }
0x3c: {  	p2 =	seq.s32 s10, $0x1;
	s10 =	sld [smem:$0x3FBA]  }
0x3d: {  	_ =	shalt  }
0x3e: {  	_ =	shalt  }
0x3f: {  	_ =	shalt  }
0x40: {  	_ =	shalt  }
0x41: {  	_ =	shalt  }
0x42: {  	_ =	shalt  }
0x43: {  	_ =	shalt  }
0x44: {  	_ =	shalt  }
0x45: {  	_ =	shalt  }
0x46: {  	_ =	shalt  }
0x47: {  	_ =	shalt  }
0x48: {  	_ =	shalt  }
0x49: {  	_ =	shalt  }
0x4a: {  	_ =	shalt  }
0x4b: {  	_ =	shalt  }
0x4c: {  	_ =	shalt  }
0x4d: {  	_ =	shalt  }
0x4e: {  	_ =	shalt  }
0x4f: {  	_ =	shalt  }
0x50: {  	_ =	shalt  }
0x51: {  	_ =	shalt  }
0x52: {  	_ =	shalt  }
0x53: {  	_ =	shalt  }
0x54: {  	_ =	shalt  }
0x55: {  	_ =	shalt  }
0x56: {  	_ =	shalt  }
0x57: {  	_ =	shalt  }
0x58: {  	_ =	shalt  }
0x59: {  	_ =	shalt  }
0x5a: {  	_ =	shalt  }
0x5b: {  	_ =	shalt  }
0x5c: {  	_ =	shalt  }
0x5d: {  	_ =	shalt  }
0x5e: {  	_ =	shalt  }
0x5f: {  	_ =	shalt  }
0x60: {  	_ =	shalt  }
0x61: {  	_ =	shalt  }
0x62: {  	_ =	shalt  }
0x63: {  	_ =	shalt  }
0x64: {  	_ =	shalt  }
0x65: {  	_ =	shalt  }
0x66: {  	_ =	shalt  }
0x67: {  	_ =	shalt  }
0x68: {  	_ =	shalt  }
0x69: {  	_ =	shalt  }
0x6a: {  	_ =	shalt  }
0x6b: {  	_ =	shalt  }
0x6c: {  	_ =	shalt  }
0x6d: {  	_ =	shalt  }
0x6e: {  	_ =	shalt  }
0x6f: {  	_ =	shalt  }
0x70: {  	_ =	shalt  }
0x71: {  	_ =	shalt  }
0x72: {  	_ =	shalt  }
0x73: {  	_ =	shalt  }
0x74: {  	_ =	shalt  }
0x75: {  	_ =	shalt  }
0x76: {  	_ =	shalt  }
0x77: {  	_ =	shalt  }
0x78: {  	_ =	shalt  }
0x79: {  	_ =	shalt  }
0x7a: {  	_ =	shalt  }
0x7b: {  	_ =	shalt  }
0x7c: {  	_ =	shalt  }
0x7d: {  	_ =	shalt  }
0x7e: {  	_ =	shalt  }
0x7f: {  	_ =	shalt  }
0x80: {  	_ =	shalt  }
0x81: {  	_ =	shalt  }
0x82: {  	_ =	shalt  }
0x83: {  	_ =	shalt  }
0x84: {  	_ =	shalt  }
0x85: {  	_ =	shalt  }
0x86: {  	_ =	shalt  }
0x87: {  	_ =	shalt  }
.Lfunc_end0:
.L_simem_size_0:
called_computation.1_lowered:
.L_overlay_start_0:
0x88: {  	s2 =	sld [smem:$0x3FD9]  }
0x89: {  	s3 =	sld [smem:$0x3FFE];
	_ =	sdelay $0x1  }
0x8a: {  	s1 =	srdreg.scid  }
0x8b: {  	s0 =	sand.u32 $0x1, s1  }
0x8c: {  	s17 =	sshll.u32 s0, $0xA;
	s2 =	sadd.s32 s3, s2  }
0x8d: {  	s2 =	sadd.s32 s2, s17  }
0x8e: {  	[smem:$0x3FC6] =	sst s2  }
0x8f: {  	_ = 	snop  }
0x90: {  	s2 =	sld [smem:$0x3FD0];
	(tm) =	ssettm $0x1  }
0x91: {  	s18 =	sld [smem:$0x3FFB];
	_ =	sdelay $0x3  }
0x92: {  	_ =	strace s18  }
0x93: {  	s3 =	sld [smem:$0x3FFC];
	_ =	sdelay $0x3  }
0x94: {  	_ =	strace s3  }
0x95: {  	s3 =	sld [smem:$0x3FFD];
	_ =	sdelay $0x3  }
0x96: {  	_ =	strace s3  }
0x97: {  	_ =	strace $0x8FFFFFFF  }
0x98: {  	s19 =	sld [smem:$0x3FDB];
	_ =	sdelay $0x1  }
0x99: {  	s4 =	simm.s32 $_scs_section_size  }
0x9a: {  	s5 =	simm.s32 $_size__tile_overlayer_lowered;
	s6 =	simm.s32 $_tile_overlayer_lowered  }
0x9b: {  	s22 =	simm.s32 $0x1BFF;
	s21 =	sshll.u32 s6, $0x1;
	s3 =	sadd.s32 s4, s19  }
0x9c: {  	s7 =	simm.s32 $0x0;
	s20 =	sshll.u32 s5, $0x1;
	s5 =	sadd.s32 s21, s3  }
0x9d: {  	[timem:s7], [sflag:s22] =	dma.local [hbm:s5], s20  }
0x9e: {  	_ =	swait.ge [sflag:s22], s20  }
0x9f: {  	s4 =	ssub.s32 $0x0, s20;
	[sflag:s22] =	ssyncset.done $0x0  }
0xa0: {  	[sflag:s22] =	ssyncadd.s32 s4;
	_ =	sdelay $0x1  }
0xa1: {  	s23 =	simm.s32 $0x1B8B  }
0xa2: {  	_ =	swait.ge [sflag:s23], $0x1  }
0xa3: {  	[sflag:s23] =	ssyncset.done $0x0  }
0xa4: {  	s25 =	simm.s32 $0x1B8E;
	s24 =	sld [smem:$0x3FFE];
	[sflag:s23] =	ssyncadd.s32 $0xFFFFFFFF  }
0xa5: {  	s26 =	simm.s32 $execute0_lowered;
	[smem:$0x3FD2] =	sst s25  }
0xa6: {  	s5 =	sshll.u32 s26, $0x1;
	_ =	strace $0x80000046;
	[dreg:$0x1] =	wrdreg $0xFFFFFFFF  }
0xa7: {  	s28 =	simm.s32 $_size_execute0_lowered;
	s3 =	sadd.s32 s3, s5;
	[dreg:$0x0] =	wrdreg $0x0  }
0xa8: {  	s5 =	sshll.u32 s28, $0x1;
	[dreg:$0x2] =	wrdreg s3  }
0xa9: {  	[dreg:$0x3] =	wrdreg s5  }
0xaa: {  	[dreg:$0x4] =	wrdreg $0xC0  }
0xab: {  	_ =	task [dreg:s7], $0x5FFFF  }
0xac: {  	[dreg:$0x1] =	wrdreg $0xFFFFFFFF  }
0xad: {  	[dreg:$0x0] =	wrdreg $0x60  }
0xae: {  	[dreg:$0x2] =	wrdreg s24  }
0xaf: {  	[dreg:$0x3] =	wrdreg s2  }
0xb0: {  	[dreg:$0x4] =	wrdreg $0x9  }
0xb1: {  	_ =	task.clear_ibuf [dreg:s7], $0x5FFFF;
	_ =	strace $0x90000046  }
0xb2: {  	s29 =	simm.s32 $0x9;
	_ =	strace $0x80000048  }
0xb3: {  	_ =	swait.ge [sflag:s29], $0x1  }
0xb4: {  	[sflag:s29] =	ssyncadd.s32 $0xFFFFFFFF  }
0xb5: {  	_ =	strace $0x90000048  }
0xb6: {  	_ =	sfence  }
0xb7: {  	s30 =	sld [smem:$0x0];
	_ =	sdelay $0x2  }
0xb8: {  	s31 =	sshll.u32 s1, $0xD;
	s1 =	sshrl.u32 s1, $0x2  }
0xb9: {  	s3 =	sand.u32 $0x4000, s31;
	s1 =	sadd.s32 s1, s30  }
0xba: {  	s0 =	sor.u32 s3, s0;
	s1 =	sshll.u32 s1, $0x11  }
0xbb: {  	s0 =	sor.u32 s1, s0  }
0xbc: {  	s0 =	sadd.s32 $0x8F2B, s0  }
0xbd: {  	[sflag:s0] =	ssyncadd.remote.s32 $0x1  }
0xbe: {  	_ =	sfence.sel $0xFFFF  }
0xbf: {  	[dreg:$0x0] =	wrdreg $0xFFFFFFFF;
	(pc) =	sbr.abs _section_cstart, $3  }
0xc0: {  	[dreg:$0x1] =	wrdreg $0xFFFFFFFF  }
0xc1: {  	_ =	task.clear_ibuf [dreg:s7], $0x2FFFF;
	_ =	strace $0x9FFFFFFF  }
0xc2: {  	(tm) =	ssettm $0x7FFFFFFF  }
0xc3: {  	_ =	shalt  }
tec
execute0_lowered:
.L_overlay_start_1:
0x0: {  	(tag) =	ssettag $0x1  }
0x1: {  	s0 =	rddreg [dreg:$0x0]  }
0x2: {  	s1 =	srdreg.scid;
	s10 =	stileid.u32  }
0x3: {  	s4 =	rddreg [dreg:$0x1];
	s2 =	simm.s32 $0x0;
	s15 =	simm.s32 $0xD  }
0x4: {  	s16 =	simm.s32 $0xC8;
	s17 =	simm.s32 $0x6400;
	s29 =	simm.s32 $0x15E00  }
0x5: {  	s1 =	sand.u32 $0x1, s1;
	s3 =	sshll.u32 s10, $0x1;
	s22 =	smul.u32 $0x64000, s10  }
0x6: {  	s5 =	sor.u32 s1, s3;
	s7 =	ssub.s32 $0x2, s1;
	s1 =	smul.u32 $0x32000, s1  }
0x7: {  	s30 =	simm.s32 $0x3;
	s31 =	simm.s32 $0x7;
	s3 =	smul.u32 $0xC80, s5  }
0x8: {  	s28 =	simm.s32 $0xA;
	[smem:$0x7FF] =	sst s2;
	s8 =	smul.u32 $0x32000, s5  }
0x9: {  	_ =	strace $0x80000047;
	s18 =	sshrl.u32 s7, $0x1;
	s9 =	smul.u32 $0x190000, s5  }
0xa: {  	s6 =	sadd.s32 s3, s0;
	s3 =	sadd.s32 $0x19800, s0;
	s0 =	ssub.s32 s7, s18  }
0xb: {  	s5 =	sadd.s32 s4, s8;
	s21 =	sshrl.u32 s9, $0x3;
	s18 =	simm.s32 $0x9600  }
0xc: {  	s7 =	simm.s32 $0x0;
	s19 =	sadd.s32 $0x800, s6;
	s20 =	sadd.s32 $0x640, s5  }
0xd: {  	s8 =	sadd.s32 $0xC80, s5;
	s6 =	sadd.s32 s4, s21;
	s4 =	sadd.s32 s22, s4  }
0xe: {  	s13 =	smax.u32 s0, $0x1;
	s22 =	simm.s32 $0xFA00;
	[dreg:$0x3] =	wrdreg s19  }
0xf: {  	s0 =	simm.s32 $0x8;
	s21 =	simm.s32 $0x9;
	[dreg:$0x4] =	wrdreg s20  }
0x10: {  	[dreg:$0x5] =	wrdreg s8;
	s23 =	sadd.s32 $0x300C0, s6;
	s24 =	sadd.s32 $0x30700, s6  }
0x11: {  	s25 =	sadd.s32 $0x30D40, s6;
	s26 =	sadd.s32 $0x31380, s6;
	[dreg:$0x6] =	wrdreg s23  }
0x12: {  	s1 =	sadd.s32 s1, s4;
	s12 =	sadd.s32 $0x319C0, s6;
	[dreg:$0x7] =	wrdreg s24  }
0x13: {  	s20 =	simm.s32 $0xC800;
	s19 =	simm.s32 $0x5;
	[dreg:$0x8] =	wrdreg s25  }
0x14: {  	s4 =	simm.s32 $0xB;
	s6 =	simm.s32 $0xC;
	[dreg:$0x9] =	wrdreg s26  }
0x15: {  	s14 =	sadd.s32 $0x1900, s1;
	s23 =	simm.s32 $0x1;
	s25 =	simm.s32 $0x12C00  }
0x16: {  	s26 =	simm.s32 $0x2;
	s1 =	simm.s32 $0x4;
	s24 =	simm.s32 $0x6  }
.LBB2_1:
0x17: {  	s8 =	rddreg [dreg:$0x3]  }
0x18: {  	[tilespmem:s2], [sflag:$0xD] =	stream.linear.gather [hbm4b:s8+s2], $0x6400, $0x38;
	[tilespmem:$0x19000] =	vst v63  }
0x19: {  	_ =	swait.ge [sflag:s15], $0x6400  }
0x1a: {  	[sflag:s15] =	ssyncset.done $0x0  }
0x1b: {  	[sflag:s15] =	ssyncadd.s32 $0xFFFF9C00  }
0x1c: {  	[tilespmem:s17], [sflag:$0x1] =	stream.indirect.gather [hbm4b:s3+s16], $0x40, s2, s16, $0xb8;
	[tilespmem:$0x19000] =	vst v63  }
0x1d: {  	_ = 	snop  }
0x1e: {  	[tilespmem:s18], [sflag:$0x2] =	stream.indirect.gather [hbm4b:s3+s16], $0x40, s16, s16, $0xb8;
	[tilespmem:$0x19000] =	vst v63  }
0x1f: {  	s11 =	simm.s32 $0x190  }
0x20: {  	[tilespmem:s20], [sflag:$0x3] =	stream.indirect.gather [hbm4b:s3+s16], $0x40, s11, s16, $0xb8;
	[tilespmem:$0x19000] =	vst v63  }
0x21: {  	s9 =	simm.s32 $0x258  }
0x22: {  	[tilespmem:s22], [sflag:$0x4] =	stream.indirect.gather [hbm4b:s3+s16], $0x40, s9, s16, $0xb8;
	[tilespmem:$0x19000] =	vst v63  }
0x23: {  	_ =	swait.ge [sflag:s23], $0x3200  }
0x24: {  	[sflag:s23] =	ssyncset.done $0x0  }
0x25: {  	[sflag:s23] =	ssyncadd.s32 $0xFFFFCE00  }
0x26: {  	[hbm4b:s5+s2] =	stream.linear.scatter [tilespmem:s17], [sflag:$0x7], $0x3200, $0x38;
	[tilespmem:$0x19000] =	vst v63  }
0x27: {  	s10 =	simm.s32 $0x320  }
0x28: {  	[tilespmem:s25], [sflag:$0x5] =	stream.indirect.gather [hbm4b:s3+s16], $0x40, s10, s16, $0xb8;
	[tilespmem:$0x19000] =	vst v63  }
0x29: {  	_ =	swait.ge [sflag:s26], $0x3200  }
0x2a: {  	[sflag:s26] =	ssyncset.done $0x0  }
0x2b: {  	s11 =	rddreg [dreg:$0x4];
	[sflag:s26] =	ssyncadd.s32 $0xFFFFCE00  }
0x2c: {  	[hbm4b:s11+s2] =	stream.linear.scatter [tilespmem:s18], [sflag:$0x8], $0x3200, $0x38;
	[tilespmem:$0x19000] =	vst v63  }
0x2d: {  	s9 =	simm.s32 $0x3E8  }
0x2e: {  	[tilespmem:s29], [sflag:$0x6] =	stream.indirect.gather [hbm4b:s3+s16], $0x40, s9, s16, $0xb8;
	[tilespmem:$0x19000] =	vst v63  }
0x2f: {  	_ =	swait.ge [sflag:s30], $0x3200  }
0x30: {  	[sflag:s30] =	ssyncset.done $0x0  }
0x31: {  	s10 =	rddreg [dreg:$0x5];
	[sflag:s30] =	ssyncadd.s32 $0xFFFFCE00  }
0x32: {  	[hbm4b:s10+s2] =	stream.linear.scatter [tilespmem:s20], [sflag:$0x9], $0x3200, $0x38;
	[tilespmem:$0x19000] =	vst v63  }
0x33: {  	_ =	swait.ge [sflag:s31], $0x3200  }
0x34: {  	[sflag:s31] =	ssyncset.done $0x0  }
0x35: {  	s11 =	simm.s32 $0x4B0;
	[sflag:s31] =	ssyncadd.s32 $0xFFFFCE00  }
0x36: {  	[tilespmem:s17], [sflag:$0x1] =	stream.indirect.gather [hbm4b:s3+s16], $0x40, s11, s16, $0xb8;
	[tilespmem:$0x19000] =	vst v63  }
0x37: {  	_ =	swait.ge [sflag:s1], $0x3200  }
0x38: {  	[sflag:s1] =	ssyncset.done $0x0  }
0x39: {  	s9 =	sadd.s32 $0xFFFFF9C0, s14;
	[sflag:s1] =	ssyncadd.s32 $0xFFFFCE00  }
0x3a: {  	[hbm4b:s9+s2] =	stream.linear.scatter [tilespmem:s22], [sflag:$0xA], $0x3200, $0x38;
	[tilespmem:$0x19000] =	vst v63  }
0x3b: {  	_ =	swait.ge [sflag:s0], $0x3200  }
0x3c: {  	[sflag:s0] =	ssyncset.done $0x0  }
0x3d: {  	s10 =	simm.s32 $0x578;
	[sflag:s0] =	ssyncadd.s32 $0xFFFFCE00  }
0x3e: {  	[tilespmem:s18], [sflag:$0x2] =	stream.indirect.gather [hbm4b:s3+s16], $0x40, s10, s16, $0xb8;
	[tilespmem:$0x19000] =	vst v63  }
0x3f: {  	_ =	swait.ge [sflag:s19], $0x3200  }
0x40: {  	[sflag:s19] =	ssyncset.done $0x0  }
0x41: {  	[sflag:s19] =	ssyncadd.s32 $0xFFFFCE00  }
0x42: {  	[hbm4b:s14+s2] =	stream.linear.scatter [tilespmem:s25], [sflag:$0xB], $0x3200, $0x38;
	[tilespmem:$0x19000] =	vst v63  }
0x43: {  	_ =	swait.ge [sflag:s21], $0x3200  }
0x44: {  	[sflag:s21] =	ssyncset.done $0x0  }
0x45: {  	s11 =	simm.s32 $0x640;
	[sflag:s21] =	ssyncadd.s32 $0xFFFFCE00  }
0x46: {  	[tilespmem:s20], [sflag:$0x3] =	stream.indirect.gather [hbm4b:s3+s16], $0x40, s11, s16, $0xb8;
	[tilespmem:$0x19000] =	vst v63  }
0x47: {  	_ =	swait.ge [sflag:s24], $0x3200  }
0x48: {  	[sflag:s24] =	ssyncset.done $0x0  }
0x49: {  	s9 =	sadd.s32 $0x640, s14;
	[sflag:s24] =	ssyncadd.s32 $0xFFFFCE00  }
0x4a: {  	[hbm4b:s9+s2] =	stream.linear.scatter [tilespmem:s29], [sflag:$0xC], $0x3200, $0x38;
	[tilespmem:$0x19000] =	vst v63  }
0x4b: {  	_ =	swait.ge [sflag:s28], $0x3200  }
0x4c: {  	[sflag:s28] =	ssyncset.done $0x0  }
0x4d: {  	s10 =	simm.s32 $0x708;
	[sflag:s28] =	ssyncadd.s32 $0xFFFFCE00  }
0x4e: {  	[tilespmem:s22], [sflag:$0x4] =	stream.indirect.gather [hbm4b:s3+s16], $0x40, s10, s16, $0xb8;
	[tilespmem:$0x19000] =	vst v63  }
0x4f: {  	_ =	swait.ge [sflag:s23], $0x3200  }
0x50: {  	[sflag:s23] =	ssyncset.done $0x0  }
0x51: {  	s11 =	sadd.s32 $0xC80, s14;
	[sflag:s23] =	ssyncadd.s32 $0xFFFFCE00  }
0x52: {  	[hbm4b:s11+s2] =	stream.linear.scatter [tilespmem:s17], [sflag:$0x7], $0x3200, $0x38;
	[tilespmem:$0x19000] =	vst v63  }
0x53: {  	_ =	swait.ge [sflag:s4], $0x3200  }
0x54: {  	[sflag:s4] =	ssyncset.done $0x0  }
0x55: {  	s9 =	simm.s32 $0x7D0;
	[sflag:s4] =	ssyncadd.s32 $0xFFFFCE00  }
0x56: {  	[tilespmem:s25], [sflag:$0x5] =	stream.indirect.gather [hbm4b:s3+s16], $0x40, s9, s16, $0xb8;
	[tilespmem:$0x19000] =	vst v63  }
0x57: {  	_ =	swait.ge [sflag:s26], $0x3200  }
0x58: {  	[sflag:s26] =	ssyncset.done $0x0  }
0x59: {  	s10 =	sadd.s32 $0x12C0, s14;
	[sflag:s26] =	ssyncadd.s32 $0xFFFFCE00  }
0x5a: {  	[hbm4b:s10+s2] =	stream.linear.scatter [tilespmem:s18], [sflag:$0x8], $0x3200, $0x38;
	[tilespmem:$0x19000] =	vst v63  }
0x5b: {  	_ =	swait.ge [sflag:s6], $0x3200  }
0x5c: {  	[sflag:s6] =	ssyncset.done $0x0  }
0x5d: {  	s11 =	simm.s32 $0x898;
	[sflag:s6] =	ssyncadd.s32 $0xFFFFCE00  }
0x5e: {  	[tilespmem:s29], [sflag:$0x6] =	stream.indirect.gather [hbm4b:s3+s16], $0x40, s11, s16, $0xb8;
	[tilespmem:$0x19000] =	vst v63  }
0x5f: {  	_ =	swait.ge [sflag:s30], $0x3200  }
0x60: {  	s8 =	simm.s32 $0x12C0;
	[sflag:s30] =	ssyncset.done $0x0  }
0x61: {  	s9 =	sadd.s32 $0x2580, s14;
	s10 =	sadd.s32 $0x1900, s14;
	[sflag:s30] =	ssyncadd.s32 $0xFFFFCE00  }
.LBB2_2:
0x62: {  	[hbm4b:s10+s2] =	stream.linear.scatter [tilespmem:s20], [sflag:$0x9], $0x3200, $0x38;
	[tilespmem:$0x19000] =	vst v63  }
0x63: {  	s10 =	smov.u32 s8  }
0x64: {  	p0 =	sne.s32 s8, $0x16440;
	s8 =	sadd.s32 $0x12C0, s8;
	_ =	swait.ge [sflag:s31], $0x3200  }
0x65: {  	s10 =	sshra.s32 s10, $0x2;
	[sflag:s31] =	ssyncset.done $0x0  }
0x66: {  	s11 =	sadd.s32 $0x4B0, s10;
	[sflag:s31] =	ssyncadd.s32 $0xFFFFCE00  }
0x67: {  	[tilespmem:s17], [sflag:$0x1] =	stream.indirect.gather [hbm4b:s3+s16], $0x40, s11, s16, $0xb8;
	[tilespmem:$0x19000] =	vst v63  }
0x68: {  	_ =	swait.ge [sflag:s1], $0x3200  }
0x69: {  	[sflag:s1] =	ssyncset.done $0x0  }
0x6a: {  	s11 =	sadd.s32 $0xFFFFF9C0, s9;
	[sflag:s1] =	ssyncadd.s32 $0xFFFFCE00  }
0x6b: {  	[hbm4b:s11+s2] =	stream.linear.scatter [tilespmem:s22], [sflag:$0xA], $0x3200, $0x38;
	[tilespmem:$0x19000] =	vst v63  }
0x6c: {  	_ =	swait.ge [sflag:s0], $0x3200  }
0x6d: {  	[sflag:s0] =	ssyncset.done $0x0  }
0x6e: {  	s11 =	sadd.s32 $0x578, s10;
	[sflag:s0] =	ssyncadd.s32 $0xFFFFCE00  }
0x6f: {  	[tilespmem:s18], [sflag:$0x2] =	stream.indirect.gather [hbm4b:s3+s16], $0x40, s11, s16, $0xb8;
	[tilespmem:$0x19000] =	vst v63  }
0x70: {  	_ =	swait.ge [sflag:s19], $0x3200  }
0x71: {  	[sflag:s19] =	ssyncset.done $0x0  }
0x72: {  	[sflag:s19] =	ssyncadd.s32 $0xFFFFCE00  }
0x73: {  	[hbm4b:s9+s2] =	stream.linear.scatter [tilespmem:s25], [sflag:$0xB], $0x3200, $0x38;
	[tilespmem:$0x19000] =	vst v63  }
0x74: {  	_ =	swait.ge [sflag:s21], $0x3200  }
0x75: {  	[sflag:s21] =	ssyncset.done $0x0  }
0x76: {  	s11 =	sadd.s32 $0x640, s10;
	[sflag:s21] =	ssyncadd.s32 $0xFFFFCE00  }
0x77: {  	[tilespmem:s20], [sflag:$0x3] =	stream.indirect.gather [hbm4b:s3+s16], $0x40, s11, s16, $0xb8;
	[tilespmem:$0x19000] =	vst v63  }
0x78: {  	_ =	swait.ge [sflag:s24], $0x3200  }
0x79: {  	[sflag:s24] =	ssyncset.done $0x0  }
0x7a: {  	s11 =	sadd.s32 $0x640, s9;
	[sflag:s24] =	ssyncadd.s32 $0xFFFFCE00  }
0x7b: {  	[hbm4b:s11+s2] =	stream.linear.scatter [tilespmem:s29], [sflag:$0xC], $0x3200, $0x38;
	[tilespmem:$0x19000] =	vst v63  }
0x7c: {  	_ =	swait.ge [sflag:s28], $0x3200  }
0x7d: {  	[sflag:s28] =	ssyncset.done $0x0  }
0x7e: {  	s11 =	sadd.s32 $0x708, s10;
	[sflag:s28] =	ssyncadd.s32 $0xFFFFCE00  }
0x7f: {  	[tilespmem:s22], [sflag:$0x4] =	stream.indirect.gather [hbm4b:s3+s16], $0x40, s11, s16, $0xb8;
	[tilespmem:$0x19000] =	vst v63  }
0x80: {  	_ =	swait.ge [sflag:s23], $0x3200  }
0x81: {  	[sflag:s23] =	ssyncset.done $0x0  }
0x82: {  	s11 =	sadd.s32 $0xC80, s9;
	[sflag:s23] =	ssyncadd.s32 $0xFFFFCE00  }
0x83: {  	[hbm4b:s11+s2] =	stream.linear.scatter [tilespmem:s17], [sflag:$0x7], $0x3200, $0x38;
	[tilespmem:$0x19000] =	vst v63  }
0x84: {  	_ =	swait.ge [sflag:s4], $0x3200  }
0x85: {  	[sflag:s4] =	ssyncset.done $0x0  }
0x86: {  	s11 =	sadd.s32 $0x7D0, s10;
	[sflag:s4] =	ssyncadd.s32 $0xFFFFCE00  }
0x87: {  	[tilespmem:s25], [sflag:$0x5] =	stream.indirect.gather [hbm4b:s3+s16], $0x40, s11, s16, $0xb8;
	[tilespmem:$0x19000] =	vst v63  }
0x88: {  	_ =	swait.ge [sflag:s26], $0x3200  }
0x89: {  	[sflag:s26] =	ssyncset.done $0x0  }
0x8a: {  	s11 =	sadd.s32 $0x12C0, s9;
	[sflag:s26] =	ssyncadd.s32 $0xFFFFCE00  }
0x8b: {  	[hbm4b:s11+s2] =	stream.linear.scatter [tilespmem:s18], [sflag:$0x8], $0x3200, $0x38;
	[tilespmem:$0x19000] =	vst v63  }
0x8c: {  	_ =	swait.ge [sflag:s6], $0x3200  }
0x8d: {  	[sflag:s6] =	ssyncset.done $0x0  }
.Ltmp0:
0x8e: {  	s10 =	sadd.s32 $0x898, s10;
	[sflag:s6] =	ssyncadd.s32 $0xFFFFCE00;
	(pc) =	sbr.rel @p0 .LBB2_2-.Ltmp0, $4  }
0x8f: {  	[tilespmem:s29], [sflag:$0x6] =	stream.indirect.gather [hbm4b:s3+s16], $0x40, s10, s16, $0xb8;
	[tilespmem:$0x19000] =	vst v63  }
0x90: {  	_ =	swait.ge [sflag:s30], $0x3200  }
0x91: {  	[sflag:s30] =	ssyncset.done $0x0  }
0x92: {  	s10 =	sadd.s32 $0x1900, s9;
	s9 =	sadd.s32 $0x2580, s9;
	[sflag:s30] =	ssyncadd.s32 $0xFFFFCE00  }
0x93: {  	[hbm4b:s10+s2] =	stream.linear.scatter [tilespmem:s20], [sflag:$0x9], $0x3200, $0x38;
	[tilespmem:$0x19000] =	vst v63  }
0x94: {  	_ =	swait.ge [sflag:s31], $0x3200  }
0x95: {  	[sflag:s31] =	ssyncset.done $0x0  }
0x96: {  	s8 =	simm.s32 $0x6270;
	[sflag:s31] =	ssyncadd.s32 $0xFFFFCE00  }
0x97: {  	[tilespmem:s17], [sflag:$0x1] =	stream.indirect.gather [hbm4b:s3+s16], $0x40, s8, s16, $0xb8;
	[tilespmem:$0x19000] =	vst v63  }
0x98: {  	_ =	swait.ge [sflag:s1], $0x3200  }
0x99: {  	[sflag:s1] =	ssyncset.done $0x0  }
0x9a: {  	s10 =	rddreg [dreg:$0x6];
	[sflag:s1] =	ssyncadd.s32 $0xFFFFCE00  }
0x9b: {  	[hbm4b:s10+s2] =	stream.linear.scatter [tilespmem:s22], [sflag:$0xA], $0x3200, $0x38;
	[tilespmem:$0x19000] =	vst v63  }
0x9c: {  	_ =	swait.ge [sflag:s0], $0x3200  }
0x9d: {  	[sflag:s0] =	ssyncset.done $0x0  }
0x9e: {  	s11 =	simm.s32 $0x6338;
	[sflag:s0] =	ssyncadd.s32 $0xFFFFCE00  }
0x9f: {  	[tilespmem:s18], [sflag:$0x2] =	stream.indirect.gather [hbm4b:s3+s16], $0x40, s11, s16, $0xb8;
	[tilespmem:$0x19000] =	vst v63  }
0xa0: {  	_ =	swait.ge [sflag:s19], $0x3200  }
0xa1: {  	[sflag:s19] =	ssyncset.done $0x0  }
0xa2: {  	s9 =	rddreg [dreg:$0x7];
	[sflag:s19] =	ssyncadd.s32 $0xFFFFCE00  }
0xa3: {  	[hbm4b:s9+s2] =	stream.linear.scatter [tilespmem:s25], [sflag:$0xB], $0x3200, $0x38;
	[tilespmem:$0x19000] =	vst v63  }
0xa4: {  	_ =	swait.ge [sflag:s24], $0x3200  }
0xa5: {  	[sflag:s24] =	ssyncset.done $0x0  }
0xa6: {  	s10 =	rddreg [dreg:$0x8];
	[sflag:s24] =	ssyncadd.s32 $0xFFFFCE00  }
0xa7: {  	[hbm4b:s10+s2] =	stream.linear.scatter [tilespmem:s29], [sflag:$0xC], $0x3200, $0x38;
	[tilespmem:$0x19000] =	vst v63  }
0xa8: {  	_ =	swait.ge [sflag:s23], $0x3200  }
0xa9: {  	[sflag:s23] =	ssyncset.done $0x0  }
0xaa: {  	s11 =	rddreg [dreg:$0x9];
	[sflag:s23] =	ssyncadd.s32 $0xFFFFCE00  }
0xab: {  	[hbm4b:s11+s2] =	stream.linear.scatter [tilespmem:s17], [sflag:$0x7], $0x3200, $0x38;
	[tilespmem:$0x19000] =	vst v63  }
0xac: {  	_ =	swait.ge [sflag:s26], $0x3200  }
0xad: {  	[sflag:s26] =	ssyncset.done $0x0  }
0xae: {  	[sflag:s26] =	ssyncadd.s32 $0xFFFFCE00  }
0xaf: {  	[hbm4b:s12+s2] =	stream.linear.scatter [tilespmem:s18], [sflag:$0x8], $0x3200, $0x38;
	[tilespmem:$0x19000] =	vst v63  }
0xb0: {  	_ =	swait.ge [sflag:s21], $0x3200  }
0xb1: {  	[sflag:s21] =	ssyncset.done $0x0  }
0xb2: {  	[sflag:s21] =	ssyncadd.s32 $0xFFFFCE00  }
0xb3: {  	_ =	swait.ge [sflag:s28], $0x3200  }
0xb4: {  	[sflag:s28] =	ssyncset.done $0x0  }
0xb5: {  	[sflag:s28] =	ssyncadd.s32 $0xFFFFCE00  }
0xb6: {  	_ =	swait.ge [sflag:s4], $0x3200  }
0xb7: {  	[sflag:s4] =	ssyncset.done $0x0  }
0xb8: {  	[sflag:s4] =	ssyncadd.s32 $0xFFFFCE00  }
0xb9: {  	_ =	swait.ge [sflag:s6], $0x3200  }
0xba: {  	[sflag:s6] =	ssyncset.done $0x0  }
0xbb: {  	s7 =	sadd.s32 $0x1, s7;
	[sflag:s6] =	ssyncadd.s32 $0xFFFFCE00  }
0xbc: {  	p0 =	sne.s32 s7, s13;
	_ =	swait.ge [sflag:s31], $0x3200  }
.Ltmp1:
0xbd: {  	[sflag:s31] =	ssyncset.done $0x0;
	(pc) =	sbr.rel @p0 .LBB2_1-.Ltmp1, $4  }
0xbe: {  	[sflag:s31] =	ssyncadd.s32 $0xFFFFCE00  }
0xbf: {  	_ =	swait.ge [sflag:s0], $0x3200  }
0xc0: {  	[sflag:s0] =	ssyncset.done $0x0  }
0xc1: {  	[sflag:s0] =	ssyncadd.s32 $0xFFFFCE00  }
0xc2: {  	_ =	sfence.sel $0x180000  }
0xc3: {  	[bflag:$0x0] =	sbarrier.arrive $0xFFFF  }
0xc4: {  	_ =	strace $0x90000047  }
0xc5: {  	s0 =	stileid.u32;
	[bflag:$0x2] =	sbarrier.arrive $0xFFFF  }
0xc6: {  	p0 =	sne.s32 s0, $0x0;
	s0 =	rddreg [dreg:$0x2]  }
0xc7: {  	s0 =	sadd.s32 @!p0 $0x100000, s0  }
0xc8: {  	[sflag:s0] =	ssyncadd.tile.s32 @!p0 $0x1;
	_ =	shalt  }
.Lfunc_end2:
_tile_overlayer_lowered:
.L_overlay_start_2:
0xc9: {  	(tag) =	ssettag $0x2  }
0xca: {  	s0 =	rddreg [dreg:$0x0];
	s2 =	stileid.u32  }
0xcb: {  	s1 =	rddreg [dreg:$0x1];
	p0 =	sne.s32 s2, $0x0  }
0xcc: {  	s3 =	rddreg [dreg:$0x2];
	[bflag:$0x3] =	sbarrier.arrive $0xFFFF;
	s2 =	simm.s32 @!p0 $0x1C0D  }
0xcd: {  	[timem:s3], [sflag:s2] =	dma.local @!p0 [hbm:s0], s1  }
0xce: {  	s0 =	simm.s32 @!p0 $0xD  }
0xcf: {  	_ =	swait.ge @!p0 [sflag:s0], s1  }
0xd0: {  	s1 =	ssub.s32 @!p0 $0x0, s1;
	[sflag:s0] =	ssyncset.done @!p0 $0x0  }
0xd1: {  	[sflag:s0] =	ssyncadd.s32 @!p0 s1  }
0xd2: {  	[bflag:$0x3] =	sbarrier.arrive $0xFFFF  }
0xd3: {  	_ =	shalt  }

// kernel: sparse-core-data-format-call.cloned.1.call-start
scs
called_computation_lowered:
.L_overlay_start_0:
0x0: {  	s2 =	sld [smem:$0x3FD9]  }
0x1: {  	s3 =	sld [smem:$0x3FFE];
	_ =	sdelay $0x1  }
0x2: {  	s1 =	srdreg.scid  }
0x3: {  	s0 =	sand.u32 $0x1, s1  }
0x4: {  	s18 =	sshll.u32 s0, $0xA;
	s2 =	sadd.s32 s3, s2  }
0x5: {  	s2 =	sadd.s32 s2, s18  }
0x6: {  	[smem:$0x3FC6] =	sst s2  }
0x7: {  	_ = 	snop  }
0x8: {  	s2 =	sld [smem:$0x3FD0];
	(tm) =	ssettm $0x1  }
0x9: {  	s19 =	sld [smem:$0x3FFB];
	_ =	sdelay $0x3  }
0xa: {  	_ =	strace s19  }
0xb: {  	s3 =	sld [smem:$0x3FFC];
	_ =	sdelay $0x3  }
0xc: {  	_ =	strace s3  }
0xd: {  	s3 =	sld [smem:$0x3FFD];
	_ =	sdelay $0x3  }
0xe: {  	_ =	strace s3  }
0xf: {  	_ =	strace $0x8FFFFFFF  }
0x10: {  	s20 =	sld [smem:$0x3FDB];
	_ =	sdelay $0x1  }
0x11: {  	s4 =	simm.s32 $_scs_section_size  }
0x12: {  	s5 =	simm.s32 $_size__tile_overlayer_lowered;
	s6 =	simm.s32 $_tile_overlayer_lowered  }
0x13: {  	s23 =	simm.s32 $0x1BFF;
	s22 =	sshll.u32 s6, $0x1;
	s3 =	sadd.s32 s4, s20  }
0x14: {  	s7 =	simm.s32 $0x0;
	s21 =	sshll.u32 s5, $0x1;
	s5 =	sadd.s32 s22, s3  }
0x15: {  	[timem:s7], [sflag:s23] =	dma.local [hbm:s5], s21  }
0x16: {  	_ =	swait.ge [sflag:s23], s21  }
0x17: {  	s4 =	ssub.s32 $0x0, s21;
	[sflag:s23] =	ssyncset.done $0x0  }
0x18: {  	[sflag:s23] =	ssyncadd.s32 s4;
	_ =	sdelay $0x1  }
0x19: {  	s24 =	simm.s32 $0x1B8B  }
0x1a: {  	_ =	swait.ge [sflag:s24], $0x1  }
0x1b: {  	[sflag:s24] =	ssyncset.done $0x0  }
0x1c: {  	s26 =	simm.s32 $0x1B8E;
	s25 =	sld [smem:$0x3FFE];
	[sflag:s24] =	ssyncadd.s32 $0xFFFFFFFF  }
0x1d: {  	s27 =	simm.s32 $execute0_lowered;
	[smem:$0x3FD2] =	sst s26  }
0x1e: {  	s5 =	sshll.u32 s27, $0x1;
	_ =	strace $0x80000049;
	[dreg:$0x1] =	wrdreg $0xFFFFFFFF  }
0x1f: {  	s28 =	simm.s32 $_size_execute0_lowered;
	s3 =	sadd.s32 s3, s5;
	[dreg:$0x0] =	wrdreg $0x0  }
0x20: {  	s5 =	sshll.u32 s28, $0x1;
	[dreg:$0x2] =	wrdreg s3  }
0x21: {  	[dreg:$0x3] =	wrdreg s5  }
0x22: {  	[dreg:$0x4] =	wrdreg $0xC0  }
0x23: {  	_ =	task [dreg:s7], $0x5FFFF  }
0x24: {  	[dreg:$0x1] =	wrdreg $0xFFFFFFFF  }
0x25: {  	[dreg:$0x0] =	wrdreg $0x60  }
0x26: {  	[dreg:$0x2] =	wrdreg s25  }
0x27: {  	[dreg:$0x3] =	wrdreg s2  }
0x28: {  	[dreg:$0x4] =	wrdreg $0x9  }
0x29: {  	_ =	task.clear_ibuf [dreg:s7], $0x5FFFF;
	_ =	strace $0x90000049  }
0x2a: {  	s29 =	simm.s32 $0x9;
	_ =	strace $0x8000004B  }
0x2b: {  	_ =	swait.ge [sflag:s29], $0x1  }
0x2c: {  	[sflag:s29] =	ssyncadd.s32 $0xFFFFFFFF  }
0x2d: {  	_ =	strace $0x9000004B  }
0x2e: {  	_ =	sfence  }
0x2f: {  	s30 =	sld [smem:$0x0];
	_ =	sdelay $0x2  }
0x30: {  	s31 =	sshll.u32 s1, $0xD;
	s1 =	sshrl.u32 s1, $0x2  }
0x31: {  	s3 =	sand.u32 $0x4000, s31;
	s1 =	sadd.s32 s1, s30  }
0x32: {  	s0 =	sor.u32 s3, s0;
	s1 =	sshll.u32 s1, $0x11  }
0x33: {  	s0 =	sor.u32 s1, s0  }
0x34: {  	s0 =	sadd.s32 $0x8F2B, s0  }
0x35: {  	[sflag:s0] =	ssyncadd.remote.s32 $0x1  }
0x36: {  	_ =	sfence.sel $0xFFFF  }
0x37: {  	[dreg:$0x0] =	wrdreg $0xFFFFFFFF;
	(pc) =	sbr.abs _section_cstart, $3  }
0x38: {  	[dreg:$0x1] =	wrdreg $0xFFFFFFFF  }
0x39: {  	_ =	task.clear_ibuf [dreg:s7], $0x2FFFF;
	_ =	strace $0x9FFFFFFF  }
0x3a: {  	(tm) =	ssettm $0x7FFFFFFF  }
0x3b: {  	_ =	shalt  }
tec
execute0_lowered:
.L_overlay_start_1:
0x0: {  	(tag) =	ssettag $0x1  }
0x1: {  	s0 =	srdreg.scid  }
0x2: {  	s1 =	sshll.u32 s0, $0x4  }
0x3: {  	s0 =	stileid.u32;
	s1 =	sand.u32 $0x10, s1  }
0x4: {  	s1 =	sor.u32 s0, s1  }
0x5: {  	s6 =	rddreg [dreg:$0x0];
	s4 =	simm.s32 $0x1;
	s2 =	sshll.u32 s1, $0x7  }
0x6: {  	s7 =	simm.s32 $0x2;
	s12 =	simm.s32 $0x0;
	s1 =	ssub.s32 $0x1000, s2  }
0x7: {  	s8 =	simm.s32 $0x8000;
	s13 =	simm.s32 $0x0;
	s3 =	sand.u32 $0xF80, s1  }
0x8: {  	s9 =	simm.s32 $0x0;
	s5 =	sshrl.u32 s1, $0xC;
	p0 =	sne.s32 s3, $0x0  }
.Ltmp0:
0x9: {  	s1 =	rddreg [dreg:$0x2];
	s4 =	simm.s32 @!p0 $0x0;
	(pc) =	sbr.rel .LBB1_1-.Ltmp0, $4  }
0xa: {  	s11 =	simm.s32 $0x0;
	s3 =	rddreg [dreg:$0x1];
	s5 =	sadd.s32 s4, s5  }
0xb: {  	_ =	strace $0x8000004A;
	s4 =	simm.s32 $0x1;
	s5 =	smul.u32 $0xC8, s5  }
0xc: {  	s6 =	sadd.s32 $0x800, s6;
	s10 =	smov.u32 s2;
	[sflag:s4] =	ssyncpa.u1 $0x0  }
0xd: {  	p0 =	por $0x0, $0x0;
	[sflag:s7] =	ssyncpa.u1 $0x0;
	s7 =	sor.u32 $0x1, s5  }
.LBB1_4:
0xe: {  	s16 =	sshll.u32 s13, $0x3;
	s17 =	sand.u32 $0x78, s13  }
0xf: {  	s30 =	sand.u32 $0x7E00, s13;
	s12 =	sshll.u32 s12, $0xF;
	s16 =	sand.u32 $0xC00, s16  }
0x10: {  	[tilespmem:s15+$0x810 ss:$0x81] =	vst.msk $0xffff, v2;
	s31 =	sand.u32 $0x7, s13;
	s16 =	sor.u32 s17, s16;
	s17 =	sadd.s32 s3, s30  }
0x11: {  	[tilespmem:s15+$0x1020 ss:$0x81] =	vst.msk $0xffff, v0;
	s13 =	sshll.u32 s31, $0x12;
	s12 =	sadd.s32 s12, s17;
	s16 =	sshrl.u32 s16, $0x3  }
0x12: {  	[tilespmem:s15+$0x0 ss:$0x81] =	vst.msk $0xffff, v1;
	s13 =	sor.u32 $0x400, s13;
	s12 =	sadd.s32 s16, s12  }
0x13: {  	[hbm4b:s12+s13] =	stream.strided.scatter [tilespmem:s14], [sflag:$0x2], $0x2000, s8, s13, $0x20;
	[tilespmem:$0x8080] =	vst v63  }
.LBB1_5:
0x14: {  	s14 =	sadd.s32 $0x1, s9  }
0x15: {  	s12 =	sadd.s32 $0x1000, s10;
	s16 =	smov.u32 s10;
	p2 =	sgt.s32 s14, $0xC7  }
0x16: {  	s16 =	smov.u32 @p2 s12  }
0x17: {  	s14 =	simm.s32 @p2 $0x0;
	p2 =	sgt.s32 s16, $0xFFF  }
0x18: {  	s16 =	smov.u32 @p2 s2;
	p2 =	sne.s32 s11, s7  }
.Ltmp1:
0x19: {  	p1 =	slt.u32 s11, $0x2;
	(pc) =	sbr.rel @!p2 .LBB1_6-.Ltmp1, $4  }
0x1a: {  	s15 =	simm.s32 @!p1 $0x2  }
0x1b: {  	s13 =	smov.u32 s10;
	p0 =	por !p0, !p0;
	_ =	swait.ge @!p1 [sflag:s15], $0x2000  }
0x1c: {  	s12 =	smov.u32 s9;
	[sflag:s15] =	ssyncset.done @!p1 $0x0;
	s9 =	smov.u32 s14  }
0x1d: {  	s11 =	sadd.s32 $0x1, s11;
	[sflag:s15] =	ssyncadd.s32 @!p1 $0xFFFFE000;
	s10 =	smov.u32 s16  }
.LBB1_1:
0x1e: {  	p1 =	sge.u32 s11, s5  }
0x1f: {  	s14 =	sand.u32 @!p1 $0x1FFFFFF, s9  }
0x20: {  	s15 =	smulhi.u32 @!p1 $0x147AE15, s14;
	_ =	sdelay $0x1  }
0x21: {  	s15 =	smul.u32 @!p1 $0xC8, s15  }
0x22: {  	s16 =	sxor.u32 @!p1 $0xFFFFFFFF, s11;
	s17 =	smul.u32 @!p1 $0xC80, s10  }
0x23: {  	s31 =	sadd.s32 $0xFFFFFFFF, s11;
	s16 =	sshll.u32 @!p1 s16, $0xD;
	s14 =	ssub.s32 @!p1 s14, s15  }
0x24: {  	s15 =	sand.u32 @!p1 $0x2000, s16;
	s16 =	sadd.s32 @!p1 s6, s17;
	s14 =	sshll.u32 @!p1 s14, $0x4  }
0x25: {  	s17 =	simm.s32 @!p1 $0x6400;
	s14 =	sadd.s32 @!p1 s14, s16;
	s16 =	simm.s32 @!p1 $0x40  }
0x26: {  	[tilespmem:s15], [sflag:$0x1] =	stream.strided.gather @!p1 [hbm4b:s14+s16], $0x2000, s17, s16, $0x38;
	[tilespmem:$0x8080] =	vst v63  }
0x27: {  	p1 =	sge.u32 s31, s5  }
.Ltmp2:
0x28: {  	_ = 	snop;
	(pc) =	sbr.rel @p1 .LBB1_5-.Ltmp2, $1  }
0x29: {  	_ =	sdelay $0x3  }
0x2a: {  	s14 =	simm.s32 $0x1  }
0x2b: {  	_ =	swait.ge [sflag:s4], $0x2000;
	s14 =	simm.s32 @!p0 $0x0  }
0x2c: {  	[sflag:s4] =	ssyncset.done $0x0;
	s15 =	sshll.u32 s14, $0xD  }
0x2d: {  	[sflag:s4] =	ssyncadd.s32 $0xFFFFE000;
	s18 =	sor.u32 $0x20, s15  }
0x2e: {  	s14 =	smul.u32 $0x8100, s14;
	v3 =	vld [tilespmem:s18+$0x10]  }
0x2f: {  	s30 =	sand.u32 $0x1, s11;
	v2 =	vld [tilespmem:s18+$0xFFFFFFF0]  }
0x30: {  	s15 =	smul.u32 $0x8100, s30;
	s14 =	sshrl.u32 s14, $0x2;
	v0 =	vld [tilespmem:s18+$0x0]  }
0x31: {  	v1 =	vld [tilespmem:s18+$0xFFFFFFE0];
	s16 =	sor.u32 $0x4000, s14  }
0x32: {  	s31 =	sshrl.u32 s15, $0x2;
	s15 =	sadd.s32 $0x0, s16  }
0x33: {  	s17 =	simm.s32 $0x4;
	s18 =	sadd.s32 $0x40, s18;
	s14 =	sor.u32 $0x4000, s31;
	[tilespmem:s15+$0x1830 ss:$0x81] =	vst.msk $0xffff, v3  }
.LBB1_3:
0x34: {  	v3 =	vld [tilespmem:s18+$0x10];
	p1 =	sne.s32 s17, $0x1FC;
	[tilespmem:s15+$0x810 ss:$0x81] =	vst.msk $0xffff, v2;
	s19 =	smov.u32 s17;
	s17 =	sadd.s32 $0x4, s17  }
.Ltmp3:
0x35: {  	v2 =	vld [tilespmem:s18+$0xFFFFFFF0];
	[tilespmem:s15+$0x1020 ss:$0x81] =	vst.msk $0xffff, v0;
	(pc) =	sbr.rel @p1 .LBB1_3-.Ltmp3, $4  }
0x36: {  	v0 =	vld [tilespmem:s18+$0x0];
	[tilespmem:s15+$0x0 ss:$0x81] =	vst.msk $0xffff, v1  }
0x37: {  	s15 =	sshra.s32 s19, $0x2;
	v1 =	vld [tilespmem:s18+$0xFFFFFFE0]  }
0x38: {  	s15 =	sadd.s32 s15, s16  }
0x39: {  	s18 =	sadd.s32 $0x40, s18;
	[tilespmem:s15+$0x1830 ss:$0x81] =	vst.msk $0xffff, v3  }
.Ltmp4:
0x3a: {  	_ = 	snop;
	(pc) =	sbr.rel .LBB1_4-.Ltmp4, $1  }
0x3b: {  	_ =	sdelay $0x3  }
.LBB1_6:
0x3c: {  	_ =	sfence.sel $0x180000  }
0x3d: {  	s2 =	simm.s32 $0x1;
	[bflag:$0x0] =	sbarrier.arrive $0xFFFF  }
0x3e: {  	s31 =	simm.s32 $0x2;
	[sflag:s2] =	ssyncpa.u1 $0x1  }
0x3f: {  	[sflag:s31] =	ssyncpa.u1 $0x1  }
0x40: {  	p0 =	sne.s32 s0, $0x0;
	_ =	strace $0x9000004A  }
0x41: {  	s0 =	sadd.s32 @!p0 $0x100000, s1;
	[bflag:$0x2] =	sbarrier.arrive $0xFFFF  }
0x42: {  	[sflag:s0] =	ssyncadd.tile.s32 @!p0 $0x1;
	_ =	shalt  }
.Lfunc_end1:
_tile_overlayer_lowered:
.L_overlay_start_2:
0x43: {  	(tag) =	ssettag $0x2  }
0x44: {  	s0 =	rddreg [dreg:$0x0];
	s2 =	stileid.u32  }
0x45: {  	s1 =	rddreg [dreg:$0x1];
	p0 =	sne.s32 s2, $0x0  }
0x46: {  	s3 =	rddreg [dreg:$0x2];
	[bflag:$0x3] =	sbarrier.arrive $0xFFFF;
	s2 =	simm.s32 @!p0 $0x1C01  }
0x47: {  	[timem:s3], [sflag:s2] =	dma.local @!p0 [hbm:s0], s1  }
0x48: {  	s0 =	simm.s32 @!p0 $0x1  }
0x49: {  	_ =	swait.ge @!p0 [sflag:s0], s1  }
0x4a: {  	s1 =	ssub.s32 @!p0 $0x0, s1;
	[sflag:s0] =	ssyncset.done @!p0 $0x0  }
0x4b: {  	[sflag:s0] =	ssyncadd.s32 @!p0 s1  }
0x4c: {  	[bflag:$0x3] =	sbarrier.arrive $0xFFFF  }
0x4d: {  	_ =	shalt  }

</sc_bundles>
